<compile_context>
chip_gen: v7x
topology: tpu7x:2x2x1
jax: 0.10.2.dev20260603
libtpu: 0.0.44.dev20260713+nightly
codegen_flags: <defaults>
</compile_context>

<pallas_src>
import functools

import jax
import jax.numpy as jnp
from jax import lax
from jax.experimental import pallas as pl
from jax.experimental.pallas import tpu as pltpu
from jax.experimental.pallas import tpu_sc as plsc

N, E, D, H, O, C = 10000, 320000, 128, 128, 128, 10
NC, NS = 2, 16
NW = NC * NS
EPT = E // NW
CH = 80
EPTP = 10000
NCHK = EPTP // CH
NP = 10240
JROW = NP - 1
RPT = NP // NS
NBUF = 2
BN_EPS = 1e-5

_mesh = plsc.VectorSubcoreMesh(core_axis_name="c", subcore_axis_name="s")


G = 5
NG = NCHK // G


@functools.partial(
    pl.kernel, mesh=_mesh,
    out_type=jax.ShapeDtypeStruct((NC, NP), jnp.float32),
    scratch_types=[
        pltpu.VMEM((EPTP,), jnp.int32),
        pltpu.VMEM((CH,), jnp.float32),
        pltpu.VMEM_SHARED((NP,), jnp.float32),
        pltpu.SemaphoreType.DMA,
    ],
)
def _deg_sc(dst_hbm, zone_hbm, ones_hbm, degp_hbm, dst_v, ones_v, deg_s, sem):
    cid = lax.axis_index("c")
    sid = lax.axis_index("s")
    wid = sid * NC + cid
    pltpu.sync_copy(dst_hbm.at[wid], dst_v)
    pltpu.sync_copy(ones_hbm, ones_v)
    r0 = sid * RPT
    pltpu.sync_copy(zone_hbm.at[pl.ds(r0, RPT)], deg_s.at[pl.ds(r0, RPT)])
    plsc.subcore_barrier()

    def idx(i):
        return dst_v.at[pl.ds(pl.multiple_of(i * CH, 8), CH)]

    def group(o, carry):
        for b in range(G):
            pltpu.async_copy(ones_v, deg_s.at[idx(o * G + b)], sem, add=True)
        for _ in range(G):
            pltpu.make_async_copy(ones_v, deg_s.at[idx(0)], sem).wait()
        return carry

    lax.fori_loop(0, NG, group, 0)
    plsc.subcore_barrier()
    pltpu.sync_copy(deg_s.at[pl.ds(r0, RPT)], degp_hbm.at[cid, pl.ds(r0, RPT)])


@functools.partial(
    pl.kernel, mesh=_mesh,
    out_type=jax.ShapeDtypeStruct((NC, NP, D), jnp.float32),
    scratch_types=[
        pltpu.VMEM((EPTP,), jnp.int32),
        pltpu.VMEM((NCHK, CH), jnp.int32),
        pltpu.VMEM((NBUF * CH, D), jnp.float32),
        pltpu.VMEM_SHARED((NP, D), jnp.float32),
        pltpu.SemaphoreType.DMA((NBUF,)),
        pltpu.SemaphoreType.DMA((NBUF,)),
    ],
)
def _agg_sc(h_hbm, src_hbm, dst_hbm, zrow_hbm, aggp_hbm,
            src_v, dst_v, rows_v, acc_s, gsem, ssem):
    cid = lax.axis_index("c")
    sid = lax.axis_index("s")
    wid = sid * NC + cid
    pltpu.sync_copy(src_hbm.at[wid], src_v)
    pltpu.sync_copy(dst_hbm.at[wid], dst_v)
    r0 = sid * RPT
    pltpu.sync_copy(zrow_hbm.at[pl.ds(r0, RPT)], acc_s.at[pl.ds(r0, RPT)])
    plsc.subcore_barrier()

    def buf(r):
        return rows_v.at[pl.ds(pl.multiple_of(r * CH, 8), CH)]

    def sidx(i):
        return src_v.at[pl.ds(pl.multiple_of(i * CH, 8), CH)]

    def didx(i):
        return dst_v.at[i]

    def g_start(i, r):
        pltpu.async_copy(h_hbm.at[sidx(i)], buf(r), gsem.at[r])

    def g_wait(r):
        pltpu.make_async_copy(h_hbm.at[sidx(0)], buf(r), gsem.at[r]).wait()

    def s_start(i, r):
        pltpu.async_copy(buf(r), acc_s.at[didx(i)], ssem.at[r], add=True)

    def s_wait(r):
        pltpu.make_async_copy(buf(r), acc_s.at[didx(0)], ssem.at[r]).wait()

    g_start(0, 0)

    def step(i, carry):
        p = lax.rem(i, 2)
        q = 1 - p

        @pl.when(i < NCHK - 1)
        def _():
            @pl.when(i > 0)
            def _():
                s_wait(q)

            g_start(i + 1, q)

        g_wait(p)
        s_start(i, p)
        return carry

    lax.fori_loop(0, NCHK, step, 0)
    s_wait(1)
    s_wait(0)
    plsc.subcore_barrier()
    pltpu.sync_copy(acc_s.at[pl.ds(r0, RPT)], aggp_hbm.at[cid, pl.ds(r0, RPT)])


B = 1000
GRID = N // B


def _enc_body(h_ref, w_ref, b_ref, o_ref):
    o_ref[...] = (
        jnp.dot(h_ref[...], w_ref[...], preferred_element_type=jnp.float32,
                precision=lax.Precision.HIGHEST)
        + b_ref[...])


def _encoder(h, w, b):
    return pl.pallas_call(
        _enc_body,
        grid=(GRID,),
        in_specs=[
            pl.BlockSpec((B, D), lambda i: (i, 0)),
            pl.BlockSpec((D, H), lambda i: (0, 0)),
            pl.BlockSpec((1, H), lambda i: (0, 0)),
        ],
        out_specs=pl.BlockSpec((B, H), lambda i: (i, 0)),
        out_shape=jax.ShapeDtypeStruct((N, H), jnp.float32),
    )(h, w, b)


def _k1_body(with_deg, h_ref, aggp_ref, dref, w_ref, b_ref,
             z_ref, st_ref, inv_ref):
    if with_deg:
        deg = dref[0] + dref[1]
        inv = 1.0 / jnp.maximum(deg, 1.0)
        inv_ref[...] = inv
    else:
        inv = dref[...]
    agg = (aggp_ref[0] + aggp_ref[1]) * inv
    w = w_ref[...]
    z = (jnp.dot(h_ref[...], w[:H], preferred_element_type=jnp.float32,
                precision=lax.Precision.HIGHEST)
         + jnp.dot(agg, w[H:], preferred_element_type=jnp.float32,
                precision=lax.Precision.HIGHEST)
         + b_ref[...])
    z_ref[...] = z

    @pl.when(pl.program_id(0) == 0)
    def _():
        st_ref[...] = jnp.zeros_like(st_ref)

    st_ref[...] += jnp.stack([jnp.sum(z, axis=0), jnp.sum(z * z, axis=0)])


def _k1(h, aggp, deg_or_inv, w1, b1, with_deg):
    dspec = (pl.BlockSpec((NC, B, 1), lambda i: (0, i, 0)) if with_deg
             else pl.BlockSpec((B, 1), lambda i: (i, 0)))
    out_shape = [jax.ShapeDtypeStruct((N, H), jnp.float32),
                 jax.ShapeDtypeStruct((2, H), jnp.float32)]
    out_specs = [pl.BlockSpec((B, H), lambda i: (i, 0)),
                 pl.BlockSpec((2, H), lambda i: (0, 0))]
    if with_deg:
        out_shape.append(jax.ShapeDtypeStruct((N, 1), jnp.float32))
        out_specs.append(pl.BlockSpec((B, 1), lambda i: (i, 0)))
    else:
        out_shape.append(jax.ShapeDtypeStruct((1, 1), jnp.float32))
        out_specs.append(pl.BlockSpec((1, 1), lambda i: (0, 0)))
    return pl.pallas_call(
        functools.partial(_k1_body, with_deg),
        grid=(GRID,),
        in_specs=[
            pl.BlockSpec((B, H), lambda i: (i, 0)),
            pl.BlockSpec((NC, B, H), lambda i: (0, i, 0)),
            dspec,
            pl.BlockSpec((2 * H, H), lambda i: (0, 0)),
            pl.BlockSpec((1, H), lambda i: (0, 0)),
        ],
        out_specs=out_specs,
        out_shape=out_shape,
    )(h, aggp, deg_or_inv, w1, b1)


def _bn_from_stats(st_ref, g_ref, be_ref):
    m = st_ref[0:1] / N
    var = st_ref[1:2] / N - m * m
    rstd = lax.rsqrt(var + BN_EPS)
    return m, rstd * g_ref[...], be_ref[...]


def _k2_body(z_ref, st_ref, g_ref, be_ref, w_ref, b_ref, o_ref, st2_ref):
    m, scale, shift = _bn_from_stats(st_ref, g_ref, be_ref)
    zn = jnp.maximum((z_ref[...] - m) * scale + shift, 0.0)
    z2 = (jnp.dot(zn, w_ref[...], preferred_element_type=jnp.float32,
                precision=lax.Precision.HIGHEST)
          + b_ref[...])
    o_ref[...] = z2

    @pl.when(pl.program_id(0) == 0)
    def _():
        st2_ref[...] = jnp.zeros_like(st2_ref)

    st2_ref[...] += jnp.stack([jnp.sum(z2, axis=0), jnp.sum(z2 * z2, axis=0)])


def _k2(z1, st1, g, be, w2, b2):
    return pl.pallas_call(
        _k2_body,
        grid=(GRID,),
        in_specs=[
            pl.BlockSpec((B, H), lambda i: (i, 0)),
            pl.BlockSpec((2, H), lambda i: (0, 0)),
            pl.BlockSpec((1, H), lambda i: (0, 0)),
            pl.BlockSpec((1, H), lambda i: (0, 0)),
            pl.BlockSpec((H, H), lambda i: (0, 0)),
            pl.BlockSpec((1, H), lambda i: (0, 0)),
        ],
        out_specs=[pl.BlockSpec((B, H), lambda i: (i, 0)),
                   pl.BlockSpec((2, H), lambda i: (0, 0))],
        out_shape=[jax.ShapeDtypeStruct((N, H), jnp.float32),
                   jax.ShapeDtypeStruct((2, H), jnp.float32)],
    )(z1, st1, g, be, w2, b2)


def _k3_body(z_ref, st_ref, g_ref, be_ref, hin_ref, o_ref, cs_ref):
    m, scale, shift = _bn_from_stats(st_ref, g_ref, be_ref)
    hout = hin_ref[...] + jnp.maximum((z_ref[...] - m) * scale + shift, 0.0)
    o_ref[...] = hout

    @pl.when(pl.program_id(0) == 0)
    def _():
        cs_ref[...] = jnp.zeros_like(cs_ref)

    cs_ref[...] += jnp.sum(hout, axis=0, keepdims=True)


def _k3(z2, st2, g, be, h_in):
    return pl.pallas_call(
        _k3_body,
        grid=(GRID,),
        in_specs=[
            pl.BlockSpec((B, H), lambda i: (i, 0)),
            pl.BlockSpec((2, H), lambda i: (0, 0)),
            pl.BlockSpec((1, H), lambda i: (0, 0)),
            pl.BlockSpec((1, H), lambda i: (0, 0)),
            pl.BlockSpec((B, H), lambda i: (i, 0)),
        ],
        out_specs=[pl.BlockSpec((B, H), lambda i: (i, 0)),
                   pl.BlockSpec((1, H), lambda i: (0, 0))],
        out_shape=[jax.ShapeDtypeStruct((N, H), jnp.float32),
                   jax.ShapeDtypeStruct((1, H), jnp.float32)],
    )(z2, st2, g, be, h_in)


def _layer_body(with_deg, h_ref, aggp_ref, dref, w1_ref, b1_ref, g1_ref,
                be1_ref, w2_ref, b2_ref, g2_ref, be2_ref,
                ho_ref, cs_ref, inv_ref, z1_s, z2_s, st1_s, st2_s):
    i = pl.program_id(0)
    ph = i // GRID
    rs = pl.ds(pl.multiple_of((i % GRID) * B, 8), B)

    def inv_deg():
        if with_deg:
            deg = dref[0] + dref[1]
            return 1.0 / jnp.maximum(deg, 1.0)
        return dref[...]

    def dot(a, b):
        return jnp.dot(a, b, preferred_element_type=jnp.float32,
                       precision=lax.Precision.HIGHEST)

    @pl.when(ph == 0)
    def _():
        agg = (aggp_ref[0] + aggp_ref[1]) * inv_deg()
        w = w1_ref[...]
        z = dot(h_ref[...], w[:H]) + dot(agg, w[H:]) + b1_ref[...]
        z1_s[rs] = z

        @pl.when(i == 0)
        def _():
            st1_s[...] = jnp.zeros_like(st1_s)

        st1_s[...] += jnp.stack([jnp.sum(z, axis=0), jnp.sum(z * z, axis=0)])

    @pl.when(ph == 1)
    def _():
        m, scale, shift = _bn_from_stats(st1_s, g1_ref, be1_ref)
        zn = jnp.maximum((z1_s[rs] - m) * scale + shift, 0.0)
        z2 = dot(zn, w2_ref[...]) + b2_ref[...]
        z2_s[rs] = z2

        @pl.when(i == GRID)
        def _():
            st2_s[...] = jnp.zeros_like(st2_s)

        st2_s[...] += jnp.stack([jnp.sum(z2, axis=0),
                                 jnp.sum(z2 * z2, axis=0)])

    @pl.when(ph == 2)
    def _():
        m2, scale2, shift2 = _bn_from_stats(st2_s, g2_ref, be2_ref)
        hout = h_ref[...] + jnp.maximum(
            (z2_s[rs] - m2) * scale2 + shift2, 0.0)
        ho_ref[...] = hout
        inv_ref[...] = inv_deg()

        @pl.when(i == 2 * GRID)
        def _():
            cs_ref[...] = jnp.zeros_like(cs_ref)

        cs_ref[...] += jnp.sum(hout, axis=0, keepdims=True)


def _layer(h, aggp, deg_or_inv, w1, b1, g1, be1, w2, b2, g2, be2, with_deg):
    dspec = (pl.BlockSpec((NC, B, 1), lambda i: (0, i % GRID, 0)) if with_deg
             else pl.BlockSpec((B, 1), lambda i: (i % GRID, 0)))
    full = lambda shp: pl.BlockSpec(shp, lambda i: tuple(0 for _ in shp))
    return pl.pallas_call(
        functools.partial(_layer_body, with_deg),
        grid=(3 * GRID,),
        in_specs=[
            pl.BlockSpec((B, H), lambda i: (i % GRID, 0)),
            pl.BlockSpec((NC, B, H), lambda i: (0, i % GRID, 0)),
            dspec,
            full((2 * H, H)),
            full((1, H)),
            full((1, H)),
            full((1, H)),
            full((H, H)),
            full((1, H)),
            full((1, H)),
            full((1, H)),
        ],
        out_specs=[pl.BlockSpec((B, H), lambda i: (i % GRID, 0)),
                   pl.BlockSpec((1, H), lambda i: (0, 0)),
                   pl.BlockSpec((B, 1), lambda i: (i % GRID, 0))],
        out_shape=[jax.ShapeDtypeStruct((N, H), jnp.float32),
                   jax.ShapeDtypeStruct((1, H), jnp.float32),
                   jax.ShapeDtypeStruct((N, 1), jnp.float32)],
        scratch_shapes=[
            pltpu.VMEM((N, H), jnp.float32),
            pltpu.VMEM((N, H), jnp.float32),
            pltpu.VMEM((2, H), jnp.float32),
            pltpu.VMEM((2, H), jnp.float32),
        ],
    )(h, aggp, deg_or_inv, w1, b1, g1, be1, w2, b2, g2, be2)


def _readout_body(cs_ref, w1_ref, b1_ref, w2_ref, b2_ref, w3_ref, b3_ref,
                  o_ref):
    hg = cs_ref[...] / N
    r = jnp.maximum(
        jnp.dot(hg, w1_ref[...], preferred_element_type=jnp.float32,
                precision=lax.Precision.HIGHEST)
        + b1_ref[...], 0.0)
    r = jnp.maximum(
        jnp.dot(r, w2_ref[...], preferred_element_type=jnp.float32,
                precision=lax.Precision.HIGHEST)
        + b2_ref[...], 0.0)
    o_ref[...] = (jnp.dot(r, w3_ref[...], preferred_element_type=jnp.float32,
                precision=lax.Precision.HIGHEST)
                  + b3_ref[...])


def _readout(cs, w1, b1, w2, b2, w3, b3):
    return pl.pallas_call(
        _readout_body,
        out_shape=jax.ShapeDtypeStruct((1, C), jnp.float32),
    )(cs, w1, b1, w2, b2, w3, b3)


def kernel(h, edge_index, e, W_enc, b_enc,
           W1_0, b1_0, g1_0, be1_0, W2_0, b2_0, g2_0, be2_0,
           W1_1, b1_1, g1_1, be1_1, W2_1, b2_1, g2_1, be2_1,
           Wr1, br1, Wr2, br2, Wr3, br3):
    pad = EPTP - EPT
    src = jnp.pad(edge_index[0].astype(jnp.int32).reshape(NW, EPT),
                  ((0, 0), (0, pad)))
    dst = jnp.pad(edge_index[1].astype(jnp.int32).reshape(NW, EPT),
                  ((0, 0), (0, pad)), constant_values=JROW)
    dst2 = dst.reshape(NW, NCHK, CH)
    zrow = jnp.zeros((NP, D), jnp.float32)
    zone = jnp.zeros((NP,), jnp.float32)
    ones = jnp.ones((CH,), jnp.float32)

    row = lambda v: v.reshape(1, -1)

    degp = _deg_sc(dst, zone, ones).reshape(NC, NP, 1)
    h0 = _encoder(h, W_enc, row(b_enc))

    aggp = _agg_sc(h0, src, dst2, zrow)
    h1, _, inv_deg = _layer(h0, aggp, degp, W1_0, row(b1_0), row(g1_0),
                            row(be1_0), W2_0, row(b2_0), row(g2_0),
                            row(be2_0), True)

    aggp1 = _agg_sc(h1, src, dst2, zrow)
    h2, colsum, _ = _layer(h1, aggp1, inv_deg, W1_1, row(b1_1), row(g1_1),
                           row(be1_1), W2_1, row(b2_1), row(g2_1),
                           row(be2_1), False)

    return _readout(colsum, Wr1, row(br1), Wr2, row(br2), Wr3, row(br3))

# --- scband reference (transcript-rebuilt; emitter-appended) ---
"""Pipeline reference for scband-graph-sage-net-72018011619808 (READ-ONLY COPY).

The authoritative reference and input builder live on the scoring server;
editing this copy changes nothing except your own understanding.
"""

import jax, jax.numpy as jnp
import numpy as np

N, E, D, H, O, C = 10000, 320000, 128, 128, 128, 10

def _bn(x, g, b):
    m = x.mean(axis=0, keepdims=True)
    v = x.var(axis=0, keepdims=True)
    return (x - m) / jnp.sqrt(v + 1e-5) * g + b

def setup_inputs(seed: int = 0):
    key = jax.random.key(seed)
    ks = jax.random.split(key, 40)
    inp = {}
    inp['h'] = jax.random.normal(ks[0], (N, D), jnp.float32)
    inp['edge_index'] = jax.random.randint(ks[1], (2, E), 0, N)
    inp['e'] = jax.random.normal(ks[2], (E, 4), jnp.float32)
    def lin(k, fi, fo):
        return jax.random.normal(k, (fi, fo), jnp.float32) / np.sqrt(fi)
    inp['W_enc'] = lin(ks[3], D, H)
    inp['b_enc'] = jnp.zeros((H,), jnp.float32)
    i = 4
    for l in range(2):
        inp['W1_%d' % l] = lin(ks[i], 2 * H, H); i += 1
        inp['b1_%d' % l] = jnp.zeros((H,), jnp.float32)
        inp['g1_%d' % l] = jnp.ones((H,), jnp.float32)
        inp['be1_%d' % l] = jnp.zeros((H,), jnp.float32)
        out_l = H if l == 0 else O
        inp['W2_%d' % l] = lin(ks[i], H, out_l); i += 1
        inp['b2_%d' % l] = jnp.zeros((out_l,), jnp.float32)
        inp['g2_%d' % l] = jnp.ones((out_l,), jnp.float32)
        inp['be2_%d' % l] = jnp.zeros((out_l,), jnp.float32)
    inp['Wr1'] = lin(ks[i], O, O // 2); i += 1
    inp['br1'] = jnp.zeros((O // 2,), jnp.float32)
    inp['Wr2'] = lin(ks[i], O // 2, O // 4); i += 1
    inp['br2'] = jnp.zeros((O // 4,), jnp.float32)
    inp['Wr3'] = lin(ks[i], O // 4, C); i += 1
    inp['br3'] = jnp.zeros((C,), jnp.float32)
    return inp

def _forward(h, edge_index, W_enc, b_enc, layer_params, Wr1, br1, Wr2, br2, Wr3, br3):
    src = edge_index[0]
    dst = edge_index[1]
    h = h @ W_enc + b_enc
    deg = jax.ops.segment_sum(jnp.ones((E,), jnp.float32), dst, num_segments=N)
    deg = jnp.clip(deg, 1.0)[:, None]
    for (W1, b1, g1, be1, W2, b2, g2, be2) in layer_params:
        h_in = h
        msg = jnp.take(h, src, axis=0)
        agg = jax.ops.segment_sum(msg, dst, num_segments=N) / deg
        z = jnp.concatenate([h, agg], axis=1)
        z = z @ W1 + b1
        z = _bn(z, g1, be1)
        z = jax.nn.relu(z)
        z = z @ W2 + b2
        z = _bn(z, g2, be2)
        z = jax.nn.relu(z)
        h = h_in + z
    hg = h.mean(axis=0, keepdims=True)
    r = jax.nn.relu(hg @ Wr1 + br1)
    r = jax.nn.relu(r @ Wr2 + br2)
    return r @ Wr3 + br3

def reference(h, edge_index, e, W_enc, b_enc, W1_0, b1_0, g1_0, be1_0, W2_0, b2_0, g2_0, be2_0, W1_1, b1_1, g1_1, be1_1, W2_1, b2_1, g2_1, be2_1, Wr1, br1, Wr2, br2, Wr3, br3):
    layer_params = [(W1_0, b1_0, g1_0, be1_0, W2_0, b2_0, g2_0, be2_0), (W1_1, b1_1, g1_1, be1_1, W2_1, b2_1, g2_1, be2_1)]
    return _forward(h, edge_index, W_enc, b_enc, layer_params, Wr1, br1, Wr2, br2, Wr3, br3)

if __name__ == "__main__":
    import jax
    _d = setup_inputs()
    print(jax.jit(kernel)(*tuple(_d.values())))

</pallas_src>

<mosaic_0001>
#map = affine_map<(d0, d1) -> (0, 0)>
#map1 = affine_map<(d0, d1) -> (0)>
module attributes {stable_mosaic.version = 14 : i64} {
  func.func @_deg_sc(%arg0: i32, %arg1: i32, %arg2: memref<32x10000xi32, #tpu.memory_space<hbm>>, %arg3: memref<10240xf32, #tpu.memory_space<hbm>>, %arg4: memref<80xf32, #tpu.memory_space<hbm>>, %arg5: memref<2x10240xf32, #tpu.memory_space<hbm>>, %arg6: memref<10000xi32, #tpu.memory_space<vmem>>, %arg7: memref<80xf32, #tpu.memory_space<vmem>>, %arg8: memref<10240xf32, #tpu.memory_space<vmem_shared>>, %arg9: memref<!tpu.dma_semaphore, #tpu.memory_space<semaphore_mem>>) attributes {dimension_semantics = [#tpu.dimension_semantics<core_parallel>, #tpu.dimension_semantics<subcore_parallel>], iteration_bounds = array<i64: 2, 16>, scalar_prefetch = 0 : i64, scratch_operands = 4 : i64, tpu.core_type = #tpu.core_type<sc_vector_subcore>, window_params = [{transform_indices = #map}, {transform_indices = #map1}, {transform_indices = #map1}, {transform_indices = #map}]} {
    %mul3A = arith.constant 2 : i32
    %mul3A_0 = arith.muli %arg1, %mul3A : i32
    %add3A = arith.addi %mul3A_0, %arg0 : i32
    "tpu.region"() ({
      %run_scoped3A = tpu.sem_alloc : memref<!tpu.dma_semaphore, #tpu.memory_space<semaphore_mem>>
      %dma_start3A = arith.constant 0 : i32
      %dma_start3A_9 = tpu.memref_slice %arg2[%add3A, %dma_start3A] : memref<32x10000xi32, #tpu.memory_space<hbm>> -> memref<1x10000xi32, #tpu.memory_space<hbm>>
      %dma_start3A_10 = tpu.memref_squeeze %dma_start3A_9 : memref<1x10000xi32, #tpu.memory_space<hbm>> -> memref<10000xi32, #tpu.memory_space<hbm>>
      %dma_start3A_11 = arith.constant 0 : i32
      %dma_start3A_12 = tpu.memref_slice %arg2[%add3A, %dma_start3A_11] : memref<32x10000xi32, #tpu.memory_space<hbm>> -> memref<1x10000xi32, #tpu.memory_space<hbm>>
      %dma_start3A_13 = tpu.memref_squeeze %dma_start3A_12 : memref<1x10000xi32, #tpu.memory_space<hbm>> -> memref<10000xi32, #tpu.memory_space<hbm>>
      tpu.enqueue_dma source(%dma_start3A_13 : memref<10000xi32, #tpu.memory_space<hbm>>) target(%arg6 : memref<10000xi32, #tpu.memory_space<vmem>>) target_semaphore(%run_scoped3A : memref<!tpu.dma_semaphore, #tpu.memory_space<semaphore_mem>>)
      %dma_wait3A = arith.constant 0 : i32
      %dma_wait3A_14 = tpu.memref_slice %arg2[%add3A, %dma_wait3A] : memref<32x10000xi32, #tpu.memory_space<hbm>> -> memref<1x10000xi32, #tpu.memory_space<hbm>>
      %dma_wait3A_15 = tpu.memref_squeeze %dma_wait3A_14 : memref<1x10000xi32, #tpu.memory_space<hbm>> -> memref<10000xi32, #tpu.memory_space<hbm>>
      %dma_wait3A_16 = arith.constant 0 : i32
      %dma_wait3A_17 = tpu.memref_slice %arg2[%add3A, %dma_wait3A_16] : memref<32x10000xi32, #tpu.memory_space<hbm>> -> memref<1x10000xi32, #tpu.memory_space<hbm>>
      %dma_wait3A_18 = tpu.memref_squeeze %dma_wait3A_17 : memref<1x10000xi32, #tpu.memory_space<hbm>> -> memref<10000xi32, #tpu.memory_space<hbm>>
      tpu.wait_dma2 semaphore(%run_scoped3A : memref<!tpu.dma_semaphore, #tpu.memory_space<semaphore_mem>>) src(%dma_wait3A_18 : memref<10000xi32, #tpu.memory_space<hbm>>) dst(%arg6 : memref<10000xi32, #tpu.memory_space<vmem>>)
      tpu.yield
    }) : () -> ()
    "tpu.region"() ({
      %run_scoped3A = tpu.sem_alloc : memref<!tpu.dma_semaphore, #tpu.memory_space<semaphore_mem>>
      tpu.enqueue_dma source(%arg4 : memref<80xf32, #tpu.memory_space<hbm>>) target(%arg7 : memref<80xf32, #tpu.memory_space<vmem>>) target_semaphore(%run_scoped3A : memref<!tpu.dma_semaphore, #tpu.memory_space<semaphore_mem>>)
      tpu.wait_dma2 semaphore(%run_scoped3A : memref<!tpu.dma_semaphore, #tpu.memory_space<semaphore_mem>>) src(%arg4 : memref<80xf32, #tpu.memory_space<hbm>>) dst(%arg7 : memref<80xf32, #tpu.memory_space<vmem>>)
      tpu.yield
    }) : () -> ()
    %mul3A_1 = arith.constant 640 : i32
    %mul3A_2 = arith.muli %arg1, %mul3A_1 : i32
    "tpu.region"() ({
      %run_scoped3A = tpu.sem_alloc : memref<!tpu.dma_semaphore, #tpu.memory_space<semaphore_mem>>
      %dma_start3A = tpu.memref_slice %arg8[%mul3A_2] : memref<10240xf32, #tpu.memory_space<vmem_shared>> -> memref<640xf32, #tpu.memory_space<vmem_shared>>
      %dma_start3A_9 = tpu.memref_slice %arg3[%mul3A_2] : memref<10240xf32, #tpu.memory_space<hbm>> -> memref<640xf32, #tpu.memory_space<hbm>>
      tpu.enqueue_dma source(%dma_start3A_9 : memref<640xf32, #tpu.memory_space<hbm>>) target(%dma_start3A : memref<640xf32, #tpu.memory_space<vmem_shared>>) target_semaphore(%run_scoped3A : memref<!tpu.dma_semaphore, #tpu.memory_space<semaphore_mem>>)
      %dma_wait3A = tpu.memref_slice %arg8[%mul3A_2] : memref<10240xf32, #tpu.memory_space<vmem_shared>> -> memref<640xf32, #tpu.memory_space<vmem_shared>>
      %dma_wait3A_10 = tpu.memref_slice %arg3[%mul3A_2] : memref<10240xf32, #tpu.memory_space<hbm>> -> memref<640xf32, #tpu.memory_space<hbm>>
      tpu.wait_dma2 semaphore(%run_scoped3A : memref<!tpu.dma_semaphore, #tpu.memory_space<semaphore_mem>>) src(%dma_wait3A_10 : memref<640xf32, #tpu.memory_space<hbm>>) dst(%dma_wait3A : memref<640xf32, #tpu.memory_space<vmem_shared>>)
      tpu.yield
    }) : () -> ()
    %barrier3A = arith.constant 0 : index
    tpu.barrier barrier_id(%barrier3A)
    %scan3A = arith.constant 0 : i32
    %scan3A_3 = arith.constant 0 : i32
    %scan3A_4 = arith.constant 25 : i32
    %scan3A_5 = arith.addi %scan3A_3, %scan3A_4 : i32
    %scan3A_6 = arith.constant 1 : i32
    scf.for %scan3A_9 = %scan3A_3 to %scan3A_5 step %scan3A_6  : i32 {
      %mul3A_10 = arith.constant 5 : i32
      %mul3A_11 = arith.muli %scan3A_9, %mul3A_10 : i32
      %add3A_12 = arith.constant 0 : i32
      %add3A_13 = arith.addi %mul3A_11, %add3A_12 : i32
      %mul3A_14 = arith.constant 80 : i32
      %mul3A_15 = arith.muli %add3A_13, %mul3A_14 : i32
      %multiple_of3A = tpu.assume_multiple %mul3A_15, 8 : i32
      %dma_start3A = tpu.memref_slice %arg6[%multiple_of3A] : memref<10000xi32, #tpu.memory_space<vmem>> -> memref<80xi32, #tpu.memory_space<vmem>>
      %dma_start3A_16 = arith.constant 0 : i32
      %dma_start3A_17 = tpu.memref_slice %arg8[%dma_start3A_16] : memref<10240xf32, #tpu.memory_space<vmem_shared>> -> memref<10240xf32, #tpu.memory_space<vmem_shared>>
      tpu.enqueue_indirect_dma source(%arg7 : memref<80xf32, #tpu.memory_space<vmem>>) target(%dma_start3A_17 : memref<10240xf32, #tpu.memory_space<vmem_shared>>) offsets(%dma_start3A : memref<80xi32, #tpu.memory_space<vmem>>) semaphore(%arg9 : memref<!tpu.dma_semaphore, #tpu.memory_space<semaphore_mem>>) {add = true}
      %mul3A_18 = arith.constant 5 : i32
      %mul3A_19 = arith.muli %scan3A_9, %mul3A_18 : i32
      %add3A_20 = arith.constant 1 : i32
      %add3A_21 = arith.addi %mul3A_19, %add3A_20 : i32
      %mul3A_22 = arith.constant 80 : i32
      %mul3A_23 = arith.muli %add3A_21, %mul3A_22 : i32
      %multiple_of3A_24 = tpu.assume_multiple %mul3A_23, 8 : i32
      %dma_start3A_25 = tpu.memref_slice %arg6[%multiple_of3A_24] : memref<10000xi32, #tpu.memory_space<vmem>> -> memref<80xi32, #tpu.memory_space<vmem>>
      %dma_start3A_26 = arith.constant 0 : i32
      %dma_start3A_27 = tpu.memref_slice %arg8[%dma_start3A_26] : memref<10240xf32, #tpu.memory_space<vmem_shared>> -> memref<10240xf32, #tpu.memory_space<vmem_shared>>
      tpu.enqueue_indirect_dma source(%arg7 : memref<80xf32, #tpu.memory_space<vmem>>) target(%dma_start3A_27 : memref<10240xf32, #tpu.memory_space<vmem_shared>>) offsets(%dma_start3A_25 : memref<80xi32, #tpu.memory_space<vmem>>) semaphore(%arg9 : memref<!tpu.dma_semaphore, #tpu.memory_space<semaphore_mem>>) {add = true}
      %mul3A_28 = arith.constant 5 : i32
      %mul3A_29 = arith.muli %scan3A_9, %mul3A_28 : i32
      %add3A_30 = arith.constant 2 : i32
      %add3A_31 = arith.addi %mul3A_29, %add3A_30 : i32
      %mul3A_32 = arith.constant 80 : i32
      %mul3A_33 = arith.muli %add3A_31, %mul3A_32 : i32
      %multiple_of3A_34 = tpu.assume_multiple %mul3A_33, 8 : i32
      %dma_start3A_35 = tpu.memref_slice %arg6[%multiple_of3A_34] : memref<10000xi32, #tpu.memory_space<vmem>> -> memref<80xi32, #tpu.memory_space<vmem>>
      %dma_start3A_36 = arith.constant 0 : i32
      %dma_start3A_37 = tpu.memref_slice %arg8[%dma_start3A_36] : memref<10240xf32, #tpu.memory_space<vmem_shared>> -> memref<10240xf32, #tpu.memory_space<vmem_shared>>
      tpu.enqueue_indirect_dma source(%arg7 : memref<80xf32, #tpu.memory_space<vmem>>) target(%dma_start3A_37 : memref<10240xf32, #tpu.memory_space<vmem_shared>>) offsets(%dma_start3A_35 : memref<80xi32, #tpu.memory_space<vmem>>) semaphore(%arg9 : memref<!tpu.dma_semaphore, #tpu.memory_space<semaphore_mem>>) {add = true}
      %mul3A_38 = arith.constant 5 : i32
      %mul3A_39 = arith.muli %scan3A_9, %mul3A_38 : i32
      %add3A_40 = arith.constant 3 : i32
      %add3A_41 = arith.addi %mul3A_39, %add3A_40 : i32
      %mul3A_42 = arith.constant 80 : i32
      %mul3A_43 = arith.muli %add3A_41, %mul3A_42 : i32
      %multiple_of3A_44 = tpu.assume_multiple %mul3A_43, 8 : i32
      %dma_start3A_45 = tpu.memref_slice %arg6[%multiple_of3A_44] : memref<10000xi32, #tpu.memory_space<vmem>> -> memref<80xi32, #tpu.memory_space<vmem>>
      %dma_start3A_46 = arith.constant 0 : i32
      %dma_start3A_47 = tpu.memref_slice %arg8[%dma_start3A_46] : memref<10240xf32, #tpu.memory_space<vmem_shared>> -> memref<10240xf32, #tpu.memory_space<vmem_shared>>
      tpu.enqueue_indirect_dma source(%arg7 : memref<80xf32, #tpu.memory_space<vmem>>) target(%dma_start3A_47 : memref<10240xf32, #tpu.memory_space<vmem_shared>>) offsets(%dma_start3A_45 : memref<80xi32, #tpu.memory_space<vmem>>) semaphore(%arg9 : memref<!tpu.dma_semaphore, #tpu.memory_space<semaphore_mem>>) {add = true}
      %mul3A_48 = arith.constant 5 : i32
      %mul3A_49 = arith.muli %scan3A_9, %mul3A_48 : i32
      %add3A_50 = arith.constant 4 : i32
      %add3A_51 = arith.addi %mul3A_49, %add3A_50 : i32
      %mul3A_52 = arith.constant 80 : i32
      %mul3A_53 = arith.muli %add3A_51, %mul3A_52 : i32
      %multiple_of3A_54 = tpu.assume_multiple %mul3A_53, 8 : i32
      %dma_start3A_55 = tpu.memref_slice %arg6[%multiple_of3A_54] : memref<10000xi32, #tpu.memory_space<vmem>> -> memref<80xi32, #tpu.memory_space<vmem>>
      %dma_start3A_56 = arith.constant 0 : i32
      %dma_start3A_57 = tpu.memref_slice %arg8[%dma_start3A_56] : memref<10240xf32, #tpu.memory_space<vmem_shared>> -> memref<10240xf32, #tpu.memory_space<vmem_shared>>
      tpu.enqueue_indirect_dma source(%arg7 : memref<80xf32, #tpu.memory_space<vmem>>) target(%dma_start3A_57 : memref<10240xf32, #tpu.memory_space<vmem_shared>>) offsets(%dma_start3A_55 : memref<80xi32, #tpu.memory_space<vmem>>) semaphore(%arg9 : memref<!tpu.dma_semaphore, #tpu.memory_space<semaphore_mem>>) {add = true}
      %multiple_of3A_58 = arith.constant 0 : i32
      %multiple_of3A_59 = tpu.assume_multiple %multiple_of3A_58, 8 : i32
      %dma_wait3A = tpu.memref_slice %arg6[%multiple_of3A_59] : memref<10000xi32, #tpu.memory_space<vmem>> -> memref<80xi32, #tpu.memory_space<vmem>>
      %dma_wait3A_60 = arith.constant 0 : i32
      %dma_wait3A_61 = tpu.memref_slice %arg8[%dma_wait3A_60] : memref<10240xf32, #tpu.memory_space<vmem_shared>> -> memref<10240xf32, #tpu.memory_space<vmem_shared>>
      tpu.wait_indirect_dma semaphore(%arg9 : memref<!tpu.dma_semaphore, #tpu.memory_space<semaphore_mem>>) src(%arg7 : memref<80xf32, #tpu.memory_space<vmem>>) dst(%dma_wait3A_61 : memref<10240xf32, #tpu.memory_space<vmem_shared>>)
      %multiple_of3A_62 = arith.constant 0 : i32
      %multiple_of3A_63 = tpu.assume_multiple %multiple_of3A_62, 8 : i32
      %dma_wait3A_64 = tpu.memref_slice %arg6[%multiple_of3A_63] : memref<10000xi32, #tpu.memory_space<vmem>> -> memref<80xi32, #tpu.memory_space<vmem>>
      %dma_wait3A_65 = arith.constant 0 : i32
      %dma_wait3A_66 = tpu.memref_slice %arg8[%dma_wait3A_65] : memref<10240xf32, #tpu.memory_space<vmem_shared>> -> memref<10240xf32, #tpu.memory_space<vmem_shared>>
      tpu.wait_indirect_dma semaphore(%arg9 : memref<!tpu.dma_semaphore, #tpu.memory_space<semaphore_mem>>) src(%arg7 : memref<80xf32, #tpu.memory_space<vmem>>) dst(%dma_wait3A_66 : memref<10240xf32, #tpu.memory_space<vmem_shared>>)
      %multiple_of3A_67 = arith.constant 0 : i32
      %multiple_of3A_68 = tpu.assume_multiple %multiple_of3A_67, 8 : i32
      %dma_wait3A_69 = tpu.memref_slice %arg6[%multiple_of3A_68] : memref<10000xi32, #tpu.memory_space<vmem>> -> memref<80xi32, #tpu.memory_space<vmem>>
      %dma_wait3A_70 = arith.constant 0 : i32
      %dma_wait3A_71 = tpu.memref_slice %arg8[%dma_wait3A_70] : memref<10240xf32, #tpu.memory_space<vmem_shared>> -> memref<10240xf32, #tpu.memory_space<vmem_shared>>
      tpu.wait_indirect_dma semaphore(%arg9 : memref<!tpu.dma_semaphore, #tpu.memory_space<semaphore_mem>>) src(%arg7 : memref<80xf32, #tpu.memory_space<vmem>>) dst(%dma_wait3A_71 : memref<10240xf32, #tpu.memory_space<vmem_shared>>)
      %multiple_of3A_72 = arith.constant 0 : i32
      %multiple_of3A_73 = tpu.assume_multiple %multiple_of3A_72, 8 : i32
      %dma_wait3A_74 = tpu.memref_slice %arg6[%multiple_of3A_73] : memref<10000xi32, #tpu.memory_space<vmem>> -> memref<80xi32, #tpu.memory_space<vmem>>
      %dma_wait3A_75 = arith.constant 0 : i32
      %dma_wait3A_76 = tpu.memref_slice %arg8[%dma_wait3A_75] : memref<10240xf32, #tpu.memory_space<vmem_shared>> -> memref<10240xf32, #tpu.memory_space<vmem_shared>>
      tpu.wait_indirect_dma semaphore(%arg9 : memref<!tpu.dma_semaphore, #tpu.memory_space<semaphore_mem>>) src(%arg7 : memref<80xf32, #tpu.memory_space<vmem>>) dst(%dma_wait3A_76 : memref<10240xf32, #tpu.memory_space<vmem_shared>>)
      %multiple_of3A_77 = arith.constant 0 : i32
      %multiple_of3A_78 = tpu.assume_multiple %multiple_of3A_77, 8 : i32
      %dma_wait3A_79 = tpu.memref_slice %arg6[%multiple_of3A_78] : memref<10000xi32, #tpu.memory_space<vmem>> -> memref<80xi32, #tpu.memory_space<vmem>>
      %dma_wait3A_80 = arith.constant 0 : i32
      %dma_wait3A_81 = tpu.memref_slice %arg8[%dma_wait3A_80] : memref<10240xf32, #tpu.memory_space<vmem_shared>> -> memref<10240xf32, #tpu.memory_space<vmem_shared>>
      tpu.wait_indirect_dma semaphore(%arg9 : memref<!tpu.dma_semaphore, #tpu.memory_space<semaphore_mem>>) src(%arg7 : memref<80xf32, #tpu.memory_space<vmem>>) dst(%dma_wait3A_81 : memref<10240xf32, #tpu.memory_space<vmem_shared>>)
    }
    %scan3A_7 = arith.constant 25 : i32
    %barrier3A_8 = arith.constant 0 : index
    tpu.barrier barrier_id(%barrier3A_8)
    "tpu.region"() ({
      %run_scoped3A = tpu.sem_alloc : memref<!tpu.dma_semaphore, #tpu.memory_space<semaphore_mem>>
      %dma_start3A = tpu.memref_slice %arg5[%arg0, %mul3A_2] : memref<2x10240xf32, #tpu.memory_space<hbm>> -> memref<1x640xf32, #tpu.memory_space<hbm>>
      %dma_start3A_9 = tpu.memref_squeeze %dma_start3A : memref<1x640xf32, #tpu.memory_space<hbm>> -> memref<640xf32, #tpu.memory_space<hbm>>
      %dma_start3A_10 = tpu.memref_slice %arg8[%mul3A_2] : memref<10240xf32, #tpu.memory_space<vmem_shared>> -> memref<640xf32, #tpu.memory_space<vmem_shared>>
      tpu.enqueue_dma source(%dma_start3A_10 : memref<640xf32, #tpu.memory_space<vmem_shared>>) target(%dma_start3A_9 : memref<640xf32, #tpu.memory_space<hbm>>) target_semaphore(%run_scoped3A : memref<!tpu.dma_semaphore, #tpu.memory_space<semaphore_mem>>)
      %dma_wait3A = tpu.memref_slice %arg5[%arg0, %mul3A_2] : memref<2x10240xf32, #tpu.memory_space<hbm>> -> memref<1x640xf32, #tpu.memory_space<hbm>>
      %dma_wait3A_11 = tpu.memref_squeeze %dma_wait3A : memref<1x640xf32, #tpu.memory_space<hbm>> -> memref<640xf32, #tpu.memory_space<hbm>>
      %dma_wait3A_12 = tpu.memref_slice %arg8[%mul3A_2] : memref<10240xf32, #tpu.memory_space<vmem_shared>> -> memref<640xf32, #tpu.memory_space<vmem_shared>>
      tpu.wait_dma2 semaphore(%run_scoped3A : memref<!tpu.dma_semaphore, #tpu.memory_space<semaphore_mem>>) src(%dma_wait3A_12 : memref<640xf32, #tpu.memory_space<vmem_shared>>) dst(%dma_wait3A_11 : memref<640xf32, #tpu.memory_space<hbm>>)
      tpu.yield
    }) : () -> ()
    return
  }
}

#map = affine_map<(d0, d1) -> (0, 0)>
#map1 = affine_map<(d0, d1) -> (0, 0, 0)>
module attributes {stable_mosaic.version = 14 : i64} {
  func.func @_agg_sc(%arg0: i32, %arg1: i32, %arg2: memref<10000x128xf32, #tpu.memory_space<hbm>>, %arg3: memref<32x10000xi32, #tpu.memory_space<hbm>>, %arg4: memref<32x125x80xi32, #tpu.memory_space<hbm>>, %arg5: memref<10240x128xf32, #tpu.memory_space<hbm>>, %arg6: memref<2x10240x128xf32, #tpu.memory_space<hbm>>, %arg7: memref<10000xi32, #tpu.memory_space<vmem>>, %arg8: memref<125x80xi32, #tpu.memory_space<vmem>>, %arg9: memref<160x128xf32, #tpu.memory_space<vmem>>, %arg10: memref<10240x128xf32, #tpu.memory_space<vmem_shared>>, %arg11: memref<2x!tpu.dma_semaphore, #tpu.memory_space<semaphore_mem>>, %arg12: memref<2x!tpu.dma_semaphore, #tpu.memory_space<semaphore_mem>>) attributes {dimension_semantics = [#tpu.dimension_semantics<core_parallel>, #tpu.dimension_semantics<subcore_parallel>], iteration_bounds = array<i64: 2, 16>, scalar_prefetch = 0 : i64, scratch_operands = 6 : i64, tpu.core_type = #tpu.core_type<sc_vector_subcore>, window_params = [{transform_indices = #map}, {transform_indices = #map}, {transform_indices = #map1}, {transform_indices = #map}, {transform_indices = #map1}]} {
    %mul3A = arith.constant 2 : i32
    %mul3A_0 = arith.muli %arg1, %mul3A : i32
    %add3A = arith.addi %mul3A_0, %arg0 : i32
    "tpu.region"() ({
      %run_scoped3A = tpu.sem_alloc : memref<!tpu.dma_semaphore, #tpu.memory_space<semaphore_mem>>
      %dma_start3A_47 = arith.constant 0 : i32
      %dma_start3A_48 = tpu.memref_slice %arg3[%add3A, %dma_start3A_47] : memref<32x10000xi32, #tpu.memory_space<hbm>> -> memref<1x10000xi32, #tpu.memory_space<hbm>>
      %dma_start3A_49 = tpu.memref_squeeze %dma_start3A_48 : memref<1x10000xi32, #tpu.memory_space<hbm>> -> memref<10000xi32, #tpu.memory_space<hbm>>
      %dma_start3A_50 = arith.constant 0 : i32
      %dma_start3A_51 = tpu.memref_slice %arg3[%add3A, %dma_start3A_50] : memref<32x10000xi32, #tpu.memory_space<hbm>> -> memref<1x10000xi32, #tpu.memory_space<hbm>>
      %dma_start3A_52 = tpu.memref_squeeze %dma_start3A_51 : memref<1x10000xi32, #tpu.memory_space<hbm>> -> memref<10000xi32, #tpu.memory_space<hbm>>
      tpu.enqueue_dma source(%dma_start3A_52 : memref<10000xi32, #tpu.memory_space<hbm>>) target(%arg7 : memref<10000xi32, #tpu.memory_space<vmem>>) target_semaphore(%run_scoped3A : memref<!tpu.dma_semaphore, #tpu.memory_space<semaphore_mem>>)
      %dma_wait3A_53 = arith.constant 0 : i32
      %dma_wait3A_54 = tpu.memref_slice %arg3[%add3A, %dma_wait3A_53] : memref<32x10000xi32, #tpu.memory_space<hbm>> -> memref<1x10000xi32, #tpu.memory_space<hbm>>
      %dma_wait3A_55 = tpu.memref_squeeze %dma_wait3A_54 : memref<1x10000xi32, #tpu.memory_space<hbm>> -> memref<10000xi32, #tpu.memory_space<hbm>>
      %dma_wait3A_56 = arith.constant 0 : i32
      %dma_wait3A_57 = tpu.memref_slice %arg3[%add3A, %dma_wait3A_56] : memref<32x10000xi32, #tpu.memory_space<hbm>> -> memref<1x10000xi32, #tpu.memory_space<hbm>>
      %dma_wait3A_58 = tpu.memref_squeeze %dma_wait3A_57 : memref<1x10000xi32, #tpu.memory_space<hbm>> -> memref<10000xi32, #tpu.memory_space<hbm>>
      tpu.wait_dma2 semaphore(%run_scoped3A : memref<!tpu.dma_semaphore, #tpu.memory_space<semaphore_mem>>) src(%dma_wait3A_58 : memref<10000xi32, #tpu.memory_space<hbm>>) dst(%arg7 : memref<10000xi32, #tpu.memory_space<vmem>>)
      tpu.yield
    }) : () -> ()
    "tpu.region"() ({
      %run_scoped3A = tpu.sem_alloc : memref<!tpu.dma_semaphore, #tpu.memory_space<semaphore_mem>>
      %dma_start3A_47 = arith.constant 0 : i32
      %dma_start3A_48 = arith.constant 0 : i32
      %dma_start3A_49 = tpu.memref_slice %arg4[%add3A, %dma_start3A_47, %dma_start3A_48] : memref<32x125x80xi32, #tpu.memory_space<hbm>> -> memref<1x125x80xi32, #tpu.memory_space<hbm>>
      %dma_start3A_50 = tpu.memref_squeeze %dma_start3A_49 : memref<1x125x80xi32, #tpu.memory_space<hbm>> -> memref<125x80xi32, #tpu.memory_space<hbm>>
      %dma_start3A_51 = arith.constant 0 : i32
      %dma_start3A_52 = arith.constant 0 : i32
      %dma_start3A_53 = tpu.memref_slice %arg4[%add3A, %dma_start3A_51, %dma_start3A_52] : memref<32x125x80xi32, #tpu.memory_space<hbm>> -> memref<1x125x80xi32, #tpu.memory_space<hbm>>
      %dma_start3A_54 = tpu.memref_squeeze %dma_start3A_53 : memref<1x125x80xi32, #tpu.memory_space<hbm>> -> memref<125x80xi32, #tpu.memory_space<hbm>>
      tpu.enqueue_dma source(%dma_start3A_54 : memref<125x80xi32, #tpu.memory_space<hbm>>) target(%arg8 : memref<125x80xi32, #tpu.memory_space<vmem>>) target_semaphore(%run_scoped3A : memref<!tpu.dma_semaphore, #tpu.memory_space<semaphore_mem>>)
      %dma_wait3A_55 = arith.constant 0 : i32
      %dma_wait3A_56 = arith.constant 0 : i32
      %dma_wait3A_57 = tpu.memref_slice %arg4[%add3A, %dma_wait3A_55, %dma_wait3A_56] : memref<32x125x80xi32, #tpu.memory_space<hbm>> -> memref<1x125x80xi32, #tpu.memory_space<hbm>>
      %dma_wait3A_58 = tpu.memref_squeeze %dma_wait3A_57 : memref<1x125x80xi32, #tpu.memory_space<hbm>> -> memref<125x80xi32, #tpu.memory_space<hbm>>
      %dma_wait3A_59 = arith.constant 0 : i32
      %dma_wait3A_60 = arith.constant 0 : i32
      %dma_wait3A_61 = tpu.memref_slice %arg4[%add3A, %dma_wait3A_59, %dma_wait3A_60] : memref<32x125x80xi32, #tpu.memory_space<hbm>> -> memref<1x125x80xi32, #tpu.memory_space<hbm>>
      %dma_wait3A_62 = tpu.memref_squeeze %dma_wait3A_61 : memref<1x125x80xi32, #tpu.memory_space<hbm>> -> memref<125x80xi32, #tpu.memory_space<hbm>>
      tpu.wait_dma2 semaphore(%run_scoped3A : memref<!tpu.dma_semaphore, #tpu.memory_space<semaphore_mem>>) src(%dma_wait3A_62 : memref<125x80xi32, #tpu.memory_space<hbm>>) dst(%arg8 : memref<125x80xi32, #tpu.memory_space<vmem>>)
      tpu.yield
    }) : () -> ()
    %mul3A_1 = arith.constant 640 : i32
    %mul3A_2 = arith.muli %arg1, %mul3A_1 : i32
    "tpu.region"() ({
      %run_scoped3A = tpu.sem_alloc : memref<!tpu.dma_semaphore, #tpu.memory_space<semaphore_mem>>
      %dma_start3A_47 = arith.constant 0 : i32
      %dma_start3A_48 = tpu.memref_slice %arg10[%mul3A_2, %dma_start3A_47] : memref<10240x128xf32, #tpu.memory_space<vmem_shared>> -> memref<640x128xf32, #tpu.memory_space<vmem_shared>>
      %dma_start3A_49 = arith.constant 0 : i32
      %dma_start3A_50 = tpu.memref_slice %arg5[%mul3A_2, %dma_start3A_49] : memref<10240x128xf32, #tpu.memory_space<hbm>> -> memref<640x128xf32, #tpu.memory_space<hbm>>
      tpu.enqueue_dma source(%dma_start3A_50 : memref<640x128xf32, #tpu.memory_space<hbm>>) target(%dma_start3A_48 : memref<640x128xf32, #tpu.memory_space<vmem_shared>>) target_semaphore(%run_scoped3A : memref<!tpu.dma_semaphore, #tpu.memory_space<semaphore_mem>>)
      %dma_wait3A_51 = arith.constant 0 : i32
      %dma_wait3A_52 = tpu.memref_slice %arg10[%mul3A_2, %dma_wait3A_51] : memref<10240x128xf32, #tpu.memory_space<vmem_shared>> -> memref<640x128xf32, #tpu.memory_space<vmem_shared>>
      %dma_wait3A_53 = arith.constant 0 : i32
      %dma_wait3A_54 = tpu.memref_slice %arg5[%mul3A_2, %dma_wait3A_53] : memref<10240x128xf32, #tpu.memory_space<hbm>> -> memref<640x128xf32, #tpu.memory_space<hbm>>
      tpu.wait_dma2 semaphore(%run_scoped3A : memref<!tpu.dma_semaphore, #tpu.memory_space<semaphore_mem>>) src(%dma_wait3A_54 : memref<640x128xf32, #tpu.memory_space<hbm>>) dst(%dma_wait3A_52 : memref<640x128xf32, #tpu.memory_space<vmem_shared>>)
      tpu.yield
    }) : () -> ()
    %barrier3A = arith.constant 0 : index
    tpu.barrier barrier_id(%barrier3A)
    %multiple_of3A = arith.constant 0 : i32
    %multiple_of3A_3 = tpu.assume_multiple %multiple_of3A, 8 : i32
    %multiple_of3A_4 = arith.constant 0 : i32
    %multiple_of3A_5 = tpu.assume_multiple %multiple_of3A_4, 8 : i32
    %dma_start3A = arith.constant 0 : i32
    %dma_start3A_6 = arith.constant 0 : i32
    %dma_start3A_7 = tpu.memref_slice %arg9[%multiple_of3A_5, %dma_start3A_6] : memref<160x128xf32, #tpu.memory_space<vmem>> -> memref<80x128xf32, #tpu.memory_space<vmem>>
    %dma_start3A_8 = tpu.memref_slice %arg7[%multiple_of3A_3] : memref<10000xi32, #tpu.memory_space<vmem>> -> memref<80xi32, #tpu.memory_space<vmem>>
    %dma_start3A_9 = arith.constant 0 : i32
    %dma_start3A_10 = arith.constant 0 : i32
    %dma_start3A_11 = tpu.memref_slice %arg2[%dma_start3A_9, %dma_start3A_10] : memref<10000x128xf32, #tpu.memory_space<hbm>> -> memref<10000x128xf32, #tpu.memory_space<hbm>>
    %dma_start3A_12 = tpu.memref_slice %arg11[%dma_start3A] : memref<2x!tpu.dma_semaphore, #tpu.memory_space<semaphore_mem>> -> memref<1x!tpu.dma_semaphore, #tpu.memory_space<semaphore_mem>>
    %dma_start3A_13 = tpu.memref_squeeze %dma_start3A_12 : memref<1x!tpu.dma_semaphore, #tpu.memory_space<semaphore_mem>> -> memref<!tpu.dma_semaphore, #tpu.memory_space<semaphore_mem>>
    tpu.enqueue_indirect_dma source(%dma_start3A_11 : memref<10000x128xf32, #tpu.memory_space<hbm>>) target(%dma_start3A_7 : memref<80x128xf32, #tpu.memory_space<vmem>>) offsets(%dma_start3A_8 : memref<80xi32, #tpu.memory_space<vmem>>) semaphore(%dma_start3A_13 : memref<!tpu.dma_semaphore, #tpu.memory_space<semaphore_mem>>)
    %scan3A = arith.constant 0 : i32
    %scan3A_14 = arith.constant 0 : i32
    %scan3A_15 = arith.constant 125 : i32
    %scan3A_16 = arith.addi %scan3A_14, %scan3A_15 : i32
    %scan3A_17 = arith.constant 1 : i32
    scf.for %scan3A_47 = %scan3A_14 to %scan3A_16 step %scan3A_17  : i32 {
      %rem3A = arith.constant 2 : i32
      %rem3A_48 = arith.remsi %scan3A_47, %rem3A : i32
      %sub3A = arith.constant 1 : i32
      %sub3A_49 = arith.subi %sub3A, %rem3A_48 : i32
      %lt3A = arith.constant 124 : i32
      %lt3A_50 = arith.cmpi slt, %scan3A_47, %lt3A : i32
      %convert_element_type3A = arith.extui %lt3A_50 : i1 to i32
      %cond3A = arith.constant 0 : i32
      %cond3A_51 = arith.cmpi ne, %convert_element_type3A, %cond3A : i32
      scf.if %cond3A_51 {
        %gt3A = arith.constant 0 : i32
        %gt3A_78 = arith.cmpi sgt, %scan3A_47, %gt3A : i32
        %convert_element_type3A_79 = arith.extui %gt3A_78 : i1 to i32
        %cond3A_80 = arith.constant 0 : i32
        %cond3A_81 = arith.cmpi ne, %convert_element_type3A_79, %cond3A_80 : i32
        scf.if %cond3A_81 {
          %mul3A_98 = arith.constant 80 : i32
          %mul3A_99 = arith.muli %sub3A_49, %mul3A_98 : i32
          %multiple_of3A_100 = tpu.assume_multiple %mul3A_99, 8 : i32
          %dma_wait3A_101 = arith.constant 0 : i32
          %dma_wait3A_102 = arith.constant 0 : i32
          %dma_wait3A_103 = tpu.memref_slice %arg9[%multiple_of3A_100, %dma_wait3A_102] : memref<160x128xf32, #tpu.memory_space<vmem>> -> memref<80x128xf32, #tpu.memory_space<vmem>>
          %dma_wait3A_104 = arith.constant 0 : i32
          %dma_wait3A_105 = tpu.memref_slice %arg8[%dma_wait3A_101, %dma_wait3A_104] : memref<125x80xi32, #tpu.memory_space<vmem>> -> memref<1x80xi32, #tpu.memory_space<vmem>>
          %dma_wait3A_106 = tpu.memref_squeeze %dma_wait3A_105 : memref<1x80xi32, #tpu.memory_space<vmem>> -> memref<80xi32, #tpu.memory_space<vmem>>
          %dma_wait3A_107 = arith.constant 0 : i32
          %dma_wait3A_108 = arith.constant 0 : i32
          %dma_wait3A_109 = tpu.memref_slice %arg10[%dma_wait3A_107, %dma_wait3A_108] : memref<10240x128xf32, #tpu.memory_space<vmem_shared>> -> memref<10240x128xf32, #tpu.memory_space<vmem_shared>>
          %dma_wait3A_110 = tpu.memref_slice %arg12[%sub3A_49] : memref<2x!tpu.dma_semaphore, #tpu.memory_space<semaphore_mem>> -> memref<1x!tpu.dma_semaphore, #tpu.memory_space<semaphore_mem>>
          %dma_wait3A_111 = tpu.memref_squeeze %dma_wait3A_110 : memref<1x!tpu.dma_semaphore, #tpu.memory_space<semaphore_mem>> -> memref<!tpu.dma_semaphore, #tpu.memory_space<semaphore_mem>>
          tpu.wait_indirect_dma semaphore(%dma_wait3A_111 : memref<!tpu.dma_semaphore, #tpu.memory_space<semaphore_mem>>) src(%dma_wait3A_103 : memref<80x128xf32, #tpu.memory_space<vmem>>) dst(%dma_wait3A_109 : memref<10240x128xf32, #tpu.memory_space<vmem_shared>>)
        } else {
        }
        %add3A_82 = arith.constant 1 : i32
        %add3A_83 = arith.addi %scan3A_47, %add3A_82 : i32
        %mul3A_84 = arith.constant 80 : i32
        %mul3A_85 = arith.muli %add3A_83, %mul3A_84 : i32
        %multiple_of3A_86 = tpu.assume_multiple %mul3A_85, 8 : i32
        %mul3A_87 = arith.constant 80 : i32
        %mul3A_88 = arith.muli %sub3A_49, %mul3A_87 : i32
        %multiple_of3A_89 = tpu.assume_multiple %mul3A_88, 8 : i32
        %dma_start3A_90 = arith.constant 0 : i32
        %dma_start3A_91 = tpu.memref_slice %arg9[%multiple_of3A_89, %dma_start3A_90] : memref<160x128xf32, #tpu.memory_space<vmem>> -> memref<80x128xf32, #tpu.memory_space<vmem>>
        %dma_start3A_92 = tpu.memref_slice %arg7[%multiple_of3A_86] : memref<10000xi32, #tpu.memory_space<vmem>> -> memref<80xi32, #tpu.memory_space<vmem>>
        %dma_start3A_93 = arith.constant 0 : i32
        %dma_start3A_94 = arith.constant 0 : i32
        %dma_start3A_95 = tpu.memref_slice %arg2[%dma_start3A_93, %dma_start3A_94] : memref<10000x128xf32, #tpu.memory_space<hbm>> -> memref<10000x128xf32, #tpu.memory_space<hbm>>
        %dma_start3A_96 = tpu.memref_slice %arg11[%sub3A_49] : memref<2x!tpu.dma_semaphore, #tpu.memory_space<semaphore_mem>> -> memref<1x!tpu.dma_semaphore, #tpu.memory_space<semaphore_mem>>
        %dma_start3A_97 = tpu.memref_squeeze %dma_start3A_96 : memref<1x!tpu.dma_semaphore, #tpu.memory_space<semaphore_mem>> -> memref<!tpu.dma_semaphore, #tpu.memory_space<semaphore_mem>>
        tpu.enqueue_indirect_dma source(%dma_start3A_95 : memref<10000x128xf32, #tpu.memory_space<hbm>>) target(%dma_start3A_91 : memref<80x128xf32, #tpu.memory_space<vmem>>) offsets(%dma_start3A_92 : memref<80xi32, #tpu.memory_space<vmem>>) semaphore(%dma_start3A_97 : memref<!tpu.dma_semaphore, #tpu.memory_space<semaphore_mem>>)
      } else {
      }
      %multiple_of3A_52 = arith.constant 0 : i32
      %multiple_of3A_53 = tpu.assume_multiple %multiple_of3A_52, 8 : i32
      %mul3A_54 = arith.constant 80 : i32
      %mul3A_55 = arith.muli %rem3A_48, %mul3A_54 : i32
      %multiple_of3A_56 = tpu.assume_multiple %mul3A_55, 8 : i32
      %dma_wait3A_57 = arith.constant 0 : i32
      %dma_wait3A_58 = tpu.memref_slice %arg9[%multiple_of3A_56, %dma_wait3A_57] : memref<160x128xf32, #tpu.memory_space<vmem>> -> memref<80x128xf32, #tpu.memory_space<vmem>>
      %dma_wait3A_59 = tpu.memref_slice %arg7[%multiple_of3A_53] : memref<10000xi32, #tpu.memory_space<vmem>> -> memref<80xi32, #tpu.memory_space<vmem>>
      %dma_wait3A_60 = arith.constant 0 : i32
      %dma_wait3A_61 = arith.constant 0 : i32
      %dma_wait3A_62 = tpu.memref_slice %arg2[%dma_wait3A_60, %dma_wait3A_61] : memref<10000x128xf32, #tpu.memory_space<hbm>> -> memref<10000x128xf32, #tpu.memory_space<hbm>>
      %dma_wait3A_63 = tpu.memref_slice %arg11[%rem3A_48] : memref<2x!tpu.dma_semaphore, #tpu.memory_space<semaphore_mem>> -> memref<1x!tpu.dma_semaphore, #tpu.memory_space<semaphore_mem>>
      %dma_wait3A_64 = tpu.memref_squeeze %dma_wait3A_63 : memref<1x!tpu.dma_semaphore, #tpu.memory_space<semaphore_mem>> -> memref<!tpu.dma_semaphore, #tpu.memory_space<semaphore_mem>>
      tpu.wait_indirect_dma semaphore(%dma_wait3A_64 : memref<!tpu.dma_semaphore, #tpu.memory_space<semaphore_mem>>) src(%dma_wait3A_62 : memref<10000x128xf32, #tpu.memory_space<hbm>>) dst(%dma_wait3A_58 : memref<80x128xf32, #tpu.memory_space<vmem>>)
      %mul3A_65 = arith.constant 80 : i32
      %mul3A_66 = arith.muli %rem3A_48, %mul3A_65 : i32
      %multiple_of3A_67 = tpu.assume_multiple %mul3A_66, 8 : i32
      %dma_start3A_68 = arith.constant 0 : i32
      %dma_start3A_69 = tpu.memref_slice %arg9[%multiple_of3A_67, %dma_start3A_68] : memref<160x128xf32, #tpu.memory_space<vmem>> -> memref<80x128xf32, #tpu.memory_space<vmem>>
      %dma_start3A_70 = arith.constant 0 : i32
      %dma_start3A_71 = tpu.memref_slice %arg8[%scan3A_47, %dma_start3A_70] : memref<125x80xi32, #tpu.memory_space<vmem>> -> memref<1x80xi32, #tpu.memory_space<vmem>>
      %dma_start3A_72 = tpu.memref_squeeze %dma_start3A_71 : memref<1x80xi32, #tpu.memory_space<vmem>> -> memref<80xi32, #tpu.memory_space<vmem>>
      %dma_start3A_73 = arith.constant 0 : i32
      %dma_start3A_74 = arith.constant 0 : i32
      %dma_start3A_75 = tpu.memref_slice %arg10[%dma_start3A_73, %dma_start3A_74] : memref<10240x128xf32, #tpu.memory_space<vmem_shared>> -> memref<10240x128xf32, #tpu.memory_space<vmem_shared>>
      %dma_start3A_76 = tpu.memref_slice %arg12[%rem3A_48] : memref<2x!tpu.dma_semaphore, #tpu.memory_space<semaphore_mem>> -> memref<1x!tpu.dma_semaphore, #tpu.memory_space<semaphore_mem>>
      %dma_start3A_77 = tpu.memref_squeeze %dma_start3A_76 : memref<1x!tpu.dma_semaphore, #tpu.memory_space<semaphore_mem>> -> memref<!tpu.dma_semaphore, #tpu.memory_space<semaphore_mem>>
      tpu.enqueue_indirect_dma source(%dma_start3A_69 : memref<80x128xf32, #tpu.memory_space<vmem>>) target(%dma_start3A_75 : memref<10240x128xf32, #tpu.memory_space<vmem_shared>>) offsets(%dma_start3A_72 : memref<80xi32, #tpu.memory_space<vmem>>) semaphore(%dma_start3A_77 : memref<!tpu.dma_semaphore, #tpu.memory_space<semaphore_mem>>) {add = true}
    }
    %scan3A_18 = arith.constant 125 : i32
    %multiple_of3A_19 = arith.constant 80 : i32
    %multiple_of3A_20 = tpu.assume_multiple %multiple_of3A_19, 8 : i32
    %dma_wait3A = arith.constant 0 : i32
    %dma_wait3A_21 = arith.constant 1 : i32
    %dma_wait3A_22 = arith.constant 0 : i32
    %dma_wait3A_23 = tpu.memref_slice %arg9[%multiple_of3A_20, %dma_wait3A_22] : memref<160x128xf32, #tpu.memory_space<vmem>> -> memref<80x128xf32, #tpu.memory_space<vmem>>
    %dma_wait3A_24 = arith.constant 0 : i32
    %dma_wait3A_25 = tpu.memref_slice %arg8[%dma_wait3A, %dma_wait3A_24] : memref<125x80xi32, #tpu.memory_space<vmem>> -> memref<1x80xi32, #tpu.memory_space<vmem>>
    %dma_wait3A_26 = tpu.memref_squeeze %dma_wait3A_25 : memref<1x80xi32, #tpu.memory_space<vmem>> -> memref<80xi32, #tpu.memory_space<vmem>>
    %dma_wait3A_27 = arith.constant 0 : i32
    %dma_wait3A_28 = arith.constant 0 : i32
    %dma_wait3A_29 = tpu.memref_slice %arg10[%dma_wait3A_27, %dma_wait3A_28] : memref<10240x128xf32, #tpu.memory_space<vmem_shared>> -> memref<10240x128xf32, #tpu.memory_space<vmem_shared>>
    %dma_wait3A_30 = tpu.memref_slice %arg12[%dma_wait3A_21] : memref<2x!tpu.dma_semaphore, #tpu.memory_space<semaphore_mem>> -> memref<1x!tpu.dma_semaphore, #tpu.memory_space<semaphore_mem>>
    %dma_wait3A_31 = tpu.memref_squeeze %dma_wait3A_30 : memref<1x!tpu.dma_semaphore, #tpu.memory_space<semaphore_mem>> -> memref<!tpu.dma_semaphore, #tpu.memory_space<semaphore_mem>>
    tpu.wait_indirect_dma semaphore(%dma_wait3A_31 : memref<!tpu.dma_semaphore, #tpu.memory_space<semaphore_mem>>) src(%dma_wait3A_23 : memref<80x128xf32, #tpu.memory_space<vmem>>) dst(%dma_wait3A_29 : memref<10240x128xf32, #tpu.memory_space<vmem_shared>>)
    %multiple_of3A_32 = arith.constant 0 : i32
    %multiple_of3A_33 = tpu.assume_multiple %multiple_of3A_32, 8 : i32
    %dma_wait3A_34 = arith.constant 0 : i32
    %dma_wait3A_35 = arith.constant 0 : i32
    %dma_wait3A_36 = arith.constant 0 : i32
    %dma_wait3A_37 = tpu.memref_slice %arg9[%multiple_of3A_33, %dma_wait3A_36] : memref<160x128xf32, #tpu.memory_space<vmem>> -> memref<80x128xf32, #tpu.memory_space<vmem>>
    %dma_wait3A_38 = arith.constant 0 : i32
    %dma_wait3A_39 = tpu.memref_slice %arg8[%dma_wait3A_34, %dma_wait3A_38] : memref<125x80xi32, #tpu.memory_space<vmem>> -> memref<1x80xi32, #tpu.memory_space<vmem>>
    %dma_wait3A_40 = tpu.memref_squeeze %dma_wait3A_39 : memref<1x80xi32, #tpu.memory_space<vmem>> -> memref<80xi32, #tpu.memory_space<vmem>>
    %dma_wait3A_41 = arith.constant 0 : i32
    %dma_wait3A_42 = arith.constant 0 : i32
    %dma_wait3A_43 = tpu.memref_slice %arg10[%dma_wait3A_41, %dma_wait3A_42] : memref<10240x128xf32, #tpu.memory_space<vmem_shared>> -> memref<10240x128xf32, #tpu.memory_space<vmem_shared>>
    %dma_wait3A_44 = tpu.memref_slice %arg12[%dma_wait3A_35] : memref<2x!tpu.dma_semaphore, #tpu.memory_space<semaphore_mem>> -> memref<1x!tpu.dma_semaphore, #tpu.memory_space<semaphore_mem>>
    %dma_wait3A_45 = tpu.memref_squeeze %dma_wait3A_44 : memref<1x!tpu.dma_semaphore, #tpu.memory_space<semaphore_mem>> -> memref<!tpu.dma_semaphore, #tpu.memory_space<semaphore_mem>>
    tpu.wait_indirect_dma semaphore(%dma_wait3A_45 : memref<!tpu.dma_semaphore, #tpu.memory_space<semaphore_mem>>) src(%dma_wait3A_37 : memref<80x128xf32, #tpu.memory_space<vmem>>) dst(%dma_wait3A_43 : memref<10240x128xf32, #tpu.memory_space<vmem_shared>>)
    %barrier3A_46 = arith.constant 0 : index
    tpu.barrier barrier_id(%barrier3A_46)
    "tpu.region"() ({
      %run_scoped3A = tpu.sem_alloc : memref<!tpu.dma_semaphore, #tpu.memory_space<semaphore_mem>>
      %dma_start3A_47 = arith.constant 0 : i32
      %dma_start3A_48 = tpu.memref_slice %arg6[%arg0, %mul3A_2, %dma_start3A_47] : memref<2x10240x128xf32, #tpu.memory_space<hbm>> -> memref<1x640x128xf32, #tpu.memory_space<hbm>>
      %dma_start3A_49 = tpu.memref_squeeze %dma_start3A_48 : memref<1x640x128xf32, #tpu.memory_space<hbm>> -> memref<640x128xf32, #tpu.memory_space<hbm>>
      %dma_start3A_50 = arith.constant 0 : i32
      %dma_start3A_51 = tpu.memref_slice %arg10[%mul3A_2, %dma_start3A_50] : memref<10240x128xf32, #tpu.memory_space<vmem_shared>> -> memref<640x128xf32, #tpu.memory_space<vmem_shared>>
      tpu.enqueue_dma source(%dma_start3A_51 : memref<640x128xf32, #tpu.memory_space<vmem_shared>>) target(%dma_start3A_49 : memref<640x128xf32, #tpu.memory_space<hbm>>) target_semaphore(%run_scoped3A : memref<!tpu.dma_semaphore, #tpu.memory_space<semaphore_mem>>)
      %dma_wait3A_52 = arith.constant 0 : i32
      %dma_wait3A_53 = tpu.memref_slice %arg6[%arg0, %mul3A_2, %dma_wait3A_52] : memref<2x10240x128xf32, #tpu.memory_space<hbm>> -> memref<1x640x128xf32, #tpu.memory_space<hbm>>
      %dma_wait3A_54 = tpu.memref_squeeze %dma_wait3A_53 : memref<1x640x128xf32, #tpu.memory_space<hbm>> -> memref<640x128xf32, #tpu.memory_space<hbm>>
      %dma_wait3A_55 = arith.constant 0 : i32
      %dma_wait3A_56 = tpu.memref_slice %arg10[%mul3A_2, %dma_wait3A_55] : memref<10240x128xf32, #tpu.memory_space<vmem_shared>> -> memref<640x128xf32, #tpu.memory_space<vmem_shared>>
      tpu.wait_dma2 semaphore(%run_scoped3A : memref<!tpu.dma_semaphore, #tpu.memory_space<semaphore_mem>>) src(%dma_wait3A_56 : memref<640x128xf32, #tpu.memory_space<vmem_shared>>) dst(%dma_wait3A_54 : memref<640x128xf32, #tpu.memory_space<hbm>>)
      tpu.yield
    }) : () -> ()
    return
  }
}

#map = affine_map<(d0, d1) -> (0, 0)>
#map1 = affine_map<(d0, d1) -> (0, 0, 0)>
module attributes {stable_mosaic.version = 14 : i64} {
  func.func @_agg_sc(%arg0: i32, %arg1: i32, %arg2: memref<10000x128xf32, #tpu.memory_space<hbm>>, %arg3: memref<32x10000xi32, #tpu.memory_space<hbm>>, %arg4: memref<32x125x80xi32, #tpu.memory_space<hbm>>, %arg5: memref<10240x128xf32, #tpu.memory_space<hbm>>, %arg6: memref<2x10240x128xf32, #tpu.memory_space<hbm>>, %arg7: memref<10000xi32, #tpu.memory_space<vmem>>, %arg8: memref<125x80xi32, #tpu.memory_space<vmem>>, %arg9: memref<160x128xf32, #tpu.memory_space<vmem>>, %arg10: memref<10240x128xf32, #tpu.memory_space<vmem_shared>>, %arg11: memref<2x!tpu.dma_semaphore, #tpu.memory_space<semaphore_mem>>, %arg12: memref<2x!tpu.dma_semaphore, #tpu.memory_space<semaphore_mem>>) attributes {dimension_semantics = [#tpu.dimension_semantics<core_parallel>, #tpu.dimension_semantics<subcore_parallel>], iteration_bounds = array<i64: 2, 16>, scalar_prefetch = 0 : i64, scratch_operands = 6 : i64, tpu.core_type = #tpu.core_type<sc_vector_subcore>, window_params = [{transform_indices = #map}, {transform_indices = #map}, {transform_indices = #map1}, {transform_indices = #map}, {transform_indices = #map1}]} {
    %mul3A = arith.constant 2 : i32
    %mul3A_0 = arith.muli %arg1, %mul3A : i32
    %add3A = arith.addi %mul3A_0, %arg0 : i32
    "tpu.region"() ({
      %run_scoped3A = tpu.sem_alloc : memref<!tpu.dma_semaphore, #tpu.memory_space<semaphore_mem>>
      %dma_start3A_47 = arith.constant 0 : i32
      %dma_start3A_48 = tpu.memref_slice %arg3[%add3A, %dma_start3A_47] : memref<32x10000xi32, #tpu.memory_space<hbm>> -> memref<1x10000xi32, #tpu.memory_space<hbm>>
      %dma_start3A_49 = tpu.memref_squeeze %dma_start3A_48 : memref<1x10000xi32, #tpu.memory_space<hbm>> -> memref<10000xi32, #tpu.memory_space<hbm>>
      %dma_start3A_50 = arith.constant 0 : i32
      %dma_start3A_51 = tpu.memref_slice %arg3[%add3A, %dma_start3A_50] : memref<32x10000xi32, #tpu.memory_space<hbm>> -> memref<1x10000xi32, #tpu.memory_space<hbm>>
      %dma_start3A_52 = tpu.memref_squeeze %dma_start3A_51 : memref<1x10000xi32, #tpu.memory_space<hbm>> -> memref<10000xi32, #tpu.memory_space<hbm>>
      tpu.enqueue_dma source(%dma_start3A_52 : memref<10000xi32, #tpu.memory_space<hbm>>) target(%arg7 : memref<10000xi32, #tpu.memory_space<vmem>>) target_semaphore(%run_scoped3A : memref<!tpu.dma_semaphore, #tpu.memory_space<semaphore_mem>>)
      %dma_wait3A_53 = arith.constant 0 : i32
      %dma_wait3A_54 = tpu.memref_slice %arg3[%add3A, %dma_wait3A_53] : memref<32x10000xi32, #tpu.memory_space<hbm>> -> memref<1x10000xi32, #tpu.memory_space<hbm>>
      %dma_wait3A_55 = tpu.memref_squeeze %dma_wait3A_54 : memref<1x10000xi32, #tpu.memory_space<hbm>> -> memref<10000xi32, #tpu.memory_space<hbm>>
      %dma_wait3A_56 = arith.constant 0 : i32
      %dma_wait3A_57 = tpu.memref_slice %arg3[%add3A, %dma_wait3A_56] : memref<32x10000xi32, #tpu.memory_space<hbm>> -> memref<1x10000xi32, #tpu.memory_space<hbm>>
      %dma_wait3A_58 = tpu.memref_squeeze %dma_wait3A_57 : memref<1x10000xi32, #tpu.memory_space<hbm>> -> memref<10000xi32, #tpu.memory_space<hbm>>
      tpu.wait_dma2 semaphore(%run_scoped3A : memref<!tpu.dma_semaphore, #tpu.memory_space<semaphore_mem>>) src(%dma_wait3A_58 : memref<10000xi32, #tpu.memory_space<hbm>>) dst(%arg7 : memref<10000xi32, #tpu.memory_space<vmem>>)
      tpu.yield
    }) : () -> ()
    "tpu.region"() ({
      %run_scoped3A = tpu.sem_alloc : memref<!tpu.dma_semaphore, #tpu.memory_space<semaphore_mem>>
      %dma_start3A_47 = arith.constant 0 : i32
      %dma_start3A_48 = arith.constant 0 : i32
      %dma_start3A_49 = tpu.memref_slice %arg4[%add3A, %dma_start3A_47, %dma_start3A_48] : memref<32x125x80xi32, #tpu.memory_space<hbm>> -> memref<1x125x80xi32, #tpu.memory_space<hbm>>
      %dma_start3A_50 = tpu.memref_squeeze %dma_start3A_49 : memref<1x125x80xi32, #tpu.memory_space<hbm>> -> memref<125x80xi32, #tpu.memory_space<hbm>>
      %dma_start3A_51 = arith.constant 0 : i32
      %dma_start3A_52 = arith.constant 0 : i32
      %dma_start3A_53 = tpu.memref_slice %arg4[%add3A, %dma_start3A_51, %dma_start3A_52] : memref<32x125x80xi32, #tpu.memory_space<hbm>> -> memref<1x125x80xi32, #tpu.memory_space<hbm>>
      %dma_start3A_54 = tpu.memref_squeeze %dma_start3A_53 : memref<1x125x80xi32, #tpu.memory_space<hbm>> -> memref<125x80xi32, #tpu.memory_space<hbm>>
      tpu.enqueue_dma source(%dma_start3A_54 : memref<125x80xi32, #tpu.memory_space<hbm>>) target(%arg8 : memref<125x80xi32, #tpu.memory_space<vmem>>) target_semaphore(%run_scoped3A : memref<!tpu.dma_semaphore, #tpu.memory_space<semaphore_mem>>)
      %dma_wait3A_55 = arith.constant 0 : i32
      %dma_wait3A_56 = arith.constant 0 : i32
      %dma_wait3A_57 = tpu.memref_slice %arg4[%add3A, %dma_wait3A_55, %dma_wait3A_56] : memref<32x125x80xi32, #tpu.memory_space<hbm>> -> memref<1x125x80xi32, #tpu.memory_space<hbm>>
      %dma_wait3A_58 = tpu.memref_squeeze %dma_wait3A_57 : memref<1x125x80xi32, #tpu.memory_space<hbm>> -> memref<125x80xi32, #tpu.memory_space<hbm>>
      %dma_wait3A_59 = arith.constant 0 : i32
      %dma_wait3A_60 = arith.constant 0 : i32
      %dma_wait3A_61 = tpu.memref_slice %arg4[%add3A, %dma_wait3A_59, %dma_wait3A_60] : memref<32x125x80xi32, #tpu.memory_space<hbm>> -> memref<1x125x80xi32, #tpu.memory_space<hbm>>
      %dma_wait3A_62 = tpu.memref_squeeze %dma_wait3A_61 : memref<1x125x80xi32, #tpu.memory_space<hbm>> -> memref<125x80xi32, #tpu.memory_space<hbm>>
      tpu.wait_dma2 semaphore(%run_scoped3A : memref<!tpu.dma_semaphore, #tpu.memory_space<semaphore_mem>>) src(%dma_wait3A_62 : memref<125x80xi32, #tpu.memory_space<hbm>>) dst(%arg8 : memref<125x80xi32, #tpu.memory_space<vmem>>)
      tpu.yield
    }) : () -> ()
    %mul3A_1 = arith.constant 640 : i32
    %mul3A_2 = arith.muli %arg1, %mul3A_1 : i32
    "tpu.region"() ({
      %run_scoped3A = tpu.sem_alloc : memref<!tpu.dma_semaphore, #tpu.memory_space<semaphore_mem>>
      %dma_start3A_47 = arith.constant 0 : i32
      %dma_start3A_48 = tpu.memref_slice %arg10[%mul3A_2, %dma_start3A_47] : memref<10240x128xf32, #tpu.memory_space<vmem_shared>> -> memref<640x128xf32, #tpu.memory_space<vmem_shared>>
      %dma_start3A_49 = arith.constant 0 : i32
      %dma_start3A_50 = tpu.memref_slice %arg5[%mul3A_2, %dma_start3A_49] : memref<10240x128xf32, #tpu.memory_space<hbm>> -> memref<640x128xf32, #tpu.memory_space<hbm>>
      tpu.enqueue_dma source(%dma_start3A_50 : memref<640x128xf32, #tpu.memory_space<hbm>>) target(%dma_start3A_48 : memref<640x128xf32, #tpu.memory_space<vmem_shared>>) target_semaphore(%run_scoped3A : memref<!tpu.dma_semaphore, #tpu.memory_space<semaphore_mem>>)
      %dma_wait3A_51 = arith.constant 0 : i32
      %dma_wait3A_52 = tpu.memref_slice %arg10[%mul3A_2, %dma_wait3A_51] : memref<10240x128xf32, #tpu.memory_space<vmem_shared>> -> memref<640x128xf32, #tpu.memory_space<vmem_shared>>
      %dma_wait3A_53 = arith.constant 0 : i32
      %dma_wait3A_54 = tpu.memref_slice %arg5[%mul3A_2, %dma_wait3A_53] : memref<10240x128xf32, #tpu.memory_space<hbm>> -> memref<640x128xf32, #tpu.memory_space<hbm>>
      tpu.wait_dma2 semaphore(%run_scoped3A : memref<!tpu.dma_semaphore, #tpu.memory_space<semaphore_mem>>) src(%dma_wait3A_54 : memref<640x128xf32, #tpu.memory_space<hbm>>) dst(%dma_wait3A_52 : memref<640x128xf32, #tpu.memory_space<vmem_shared>>)
      tpu.yield
    }) : () -> ()
    %barrier3A = arith.constant 0 : index
    tpu.barrier barrier_id(%barrier3A)
    %multiple_of3A = arith.constant 0 : i32
    %multiple_of3A_3 = tpu.assume_multiple %multiple_of3A, 8 : i32
    %multiple_of3A_4 = arith.constant 0 : i32
    %multiple_of3A_5 = tpu.assume_multiple %multiple_of3A_4, 8 : i32
    %dma_start3A = arith.constant 0 : i32
    %dma_start3A_6 = arith.constant 0 : i32
    %dma_start3A_7 = tpu.memref_slice %arg9[%multiple_of3A_5, %dma_start3A_6] : memref<160x128xf32, #tpu.memory_space<vmem>> -> memref<80x128xf32, #tpu.memory_space<vmem>>
    %dma_start3A_8 = tpu.memref_slice %arg7[%multiple_of3A_3] : memref<10000xi32, #tpu.memory_space<vmem>> -> memref<80xi32, #tpu.memory_space<vmem>>
    %dma_start3A_9 = arith.constant 0 : i32
    %dma_start3A_10 = arith.constant 0 : i32
    %dma_start3A_11 = tpu.memref_slice %arg2[%dma_start3A_9, %dma_start3A_10] : memref<10000x128xf32, #tpu.memory_space<hbm>> -> memref<10000x128xf32, #tpu.memory_space<hbm>>
    %dma_start3A_12 = tpu.memref_slice %arg11[%dma_start3A] : memref<2x!tpu.dma_semaphore, #tpu.memory_space<semaphore_mem>> -> memref<1x!tpu.dma_semaphore, #tpu.memory_space<semaphore_mem>>
    %dma_start3A_13 = tpu.memref_squeeze %dma_start3A_12 : memref<1x!tpu.dma_semaphore, #tpu.memory_space<semaphore_mem>> -> memref<!tpu.dma_semaphore, #tpu.memory_space<semaphore_mem>>
    tpu.enqueue_indirect_dma source(%dma_start3A_11 : memref<10000x128xf32, #tpu.memory_space<hbm>>) target(%dma_start3A_7 : memref<80x128xf32, #tpu.memory_space<vmem>>) offsets(%dma_start3A_8 : memref<80xi32, #tpu.memory_space<vmem>>) semaphore(%dma_start3A_13 : memref<!tpu.dma_semaphore, #tpu.memory_space<semaphore_mem>>)
    %scan3A = arith.constant 0 : i32
    %scan3A_14 = arith.constant 0 : i32
    %scan3A_15 = arith.constant 125 : i32
    %scan3A_16 = arith.addi %scan3A_14, %scan3A_15 : i32
    %scan3A_17 = arith.constant 1 : i32
    scf.for %scan3A_47 = %scan3A_14 to %scan3A_16 step %scan3A_17  : i32 {
      %rem3A = arith.constant 2 : i32
      %rem3A_48 = arith.remsi %scan3A_47, %rem3A : i32
      %sub3A = arith.constant 1 : i32
      %sub3A_49 = arith.subi %sub3A, %rem3A_48 : i32
      %lt3A = arith.constant 124 : i32
      %lt3A_50 = arith.cmpi slt, %scan3A_47, %lt3A : i32
      %convert_element_type3A = arith.extui %lt3A_50 : i1 to i32
      %cond3A = arith.constant 0 : i32
      %cond3A_51 = arith.cmpi ne, %convert_element_type3A, %cond3A : i32
      scf.if %cond3A_51 {
        %gt3A = arith.constant 0 : i32
        %gt3A_78 = arith.cmpi sgt, %scan3A_47, %gt3A : i32
        %convert_element_type3A_79 = arith.extui %gt3A_78 : i1 to i32
        %cond3A_80 = arith.constant 0 : i32
        %cond3A_81 = arith.cmpi ne, %convert_element_type3A_79, %cond3A_80 : i32
        scf.if %cond3A_81 {
          %mul3A_98 = arith.constant 80 : i32
          %mul3A_99 = arith.muli %sub3A_49, %mul3A_98 : i32
          %multiple_of3A_100 = tpu.assume_multiple %mul3A_99, 8 : i32
          %dma_wait3A_101 = arith.constant 0 : i32
          %dma_wait3A_102 = arith.constant 0 : i32
          %dma_wait3A_103 = tpu.memref_slice %arg9[%multiple_of3A_100, %dma_wait3A_102] : memref<160x128xf32, #tpu.memory_space<vmem>> -> memref<80x128xf32, #tpu.memory_space<vmem>>
          %dma_wait3A_104 = arith.constant 0 : i32
          %dma_wait3A_105 = tpu.memref_slice %arg8[%dma_wait3A_101, %dma_wait3A_104] : memref<125x80xi32, #tpu.memory_space<vmem>> -> memref<1x80xi32, #tpu.memory_space<vmem>>
          %dma_wait3A_106 = tpu.memref_squeeze %dma_wait3A_105 : memref<1x80xi32, #tpu.memory_space<vmem>> -> memref<80xi32, #tpu.memory_space<vmem>>
          %dma_wait3A_107 = arith.constant 0 : i32
          %dma_wait3A_108 = arith.constant 0 : i32
          %dma_wait3A_109 = tpu.memref_slice %arg10[%dma_wait3A_107, %dma_wait3A_108] : memref<10240x128xf32, #tpu.memory_space<vmem_shared>> -> memref<10240x128xf32, #tpu.memory_space<vmem_shared>>
          %dma_wait3A_110 = tpu.memref_slice %arg12[%sub3A_49] : memref<2x!tpu.dma_semaphore, #tpu.memory_space<semaphore_mem>> -> memref<1x!tpu.dma_semaphore, #tpu.memory_space<semaphore_mem>>
          %dma_wait3A_111 = tpu.memref_squeeze %dma_wait3A_110 : memref<1x!tpu.dma_semaphore, #tpu.memory_space<semaphore_mem>> -> memref<!tpu.dma_semaphore, #tpu.memory_space<semaphore_mem>>
          tpu.wait_indirect_dma semaphore(%dma_wait3A_111 : memref<!tpu.dma_semaphore, #tpu.memory_space<semaphore_mem>>) src(%dma_wait3A_103 : memref<80x128xf32, #tpu.memory_space<vmem>>) dst(%dma_wait3A_109 : memref<10240x128xf32, #tpu.memory_space<vmem_shared>>)
        } else {
        }
        %add3A_82 = arith.constant 1 : i32
        %add3A_83 = arith.addi %scan3A_47, %add3A_82 : i32
        %mul3A_84 = arith.constant 80 : i32
        %mul3A_85 = arith.muli %add3A_83, %mul3A_84 : i32
        %multiple_of3A_86 = tpu.assume_multiple %mul3A_85, 8 : i32
        %mul3A_87 = arith.constant 80 : i32
        %mul3A_88 = arith.muli %sub3A_49, %mul3A_87 : i32
        %multiple_of3A_89 = tpu.assume_multiple %mul3A_88, 8 : i32
        %dma_start3A_90 = arith.constant 0 : i32
        %dma_start3A_91 = tpu.memref_slice %arg9[%multiple_of3A_89, %dma_start3A_90] : memref<160x128xf32, #tpu.memory_space<vmem>> -> memref<80x128xf32, #tpu.memory_space<vmem>>
        %dma_start3A_92 = tpu.memref_slice %arg7[%multiple_of3A_86] : memref<10000xi32, #tpu.memory_space<vmem>> -> memref<80xi32, #tpu.memory_space<vmem>>
        %dma_start3A_93 = arith.constant 0 : i32
        %dma_start3A_94 = arith.constant 0 : i32
        %dma_start3A_95 = tpu.memref_slice %arg2[%dma_start3A_93, %dma_start3A_94] : memref<10000x128xf32, #tpu.memory_space<hbm>> -> memref<10000x128xf32, #tpu.memory_space<hbm>>
        %dma_start3A_96 = tpu.memref_slice %arg11[%sub3A_49] : memref<2x!tpu.dma_semaphore, #tpu.memory_space<semaphore_mem>> -> memref<1x!tpu.dma_semaphore, #tpu.memory_space<semaphore_mem>>
        %dma_start3A_97 = tpu.memref_squeeze %dma_start3A_96 : memref<1x!tpu.dma_semaphore, #tpu.memory_space<semaphore_mem>> -> memref<!tpu.dma_semaphore, #tpu.memory_space<semaphore_mem>>
        tpu.enqueue_indirect_dma source(%dma_start3A_95 : memref<10000x128xf32, #tpu.memory_space<hbm>>) target(%dma_start3A_91 : memref<80x128xf32, #tpu.memory_space<vmem>>) offsets(%dma_start3A_92 : memref<80xi32, #tpu.memory_space<vmem>>) semaphore(%dma_start3A_97 : memref<!tpu.dma_semaphore, #tpu.memory_space<semaphore_mem>>)
      } else {
      }
      %multiple_of3A_52 = arith.constant 0 : i32
      %multiple_of3A_53 = tpu.assume_multiple %multiple_of3A_52, 8 : i32
      %mul3A_54 = arith.constant 80 : i32
      %mul3A_55 = arith.muli %rem3A_48, %mul3A_54 : i32
      %multiple_of3A_56 = tpu.assume_multiple %mul3A_55, 8 : i32
      %dma_wait3A_57 = arith.constant 0 : i32
      %dma_wait3A_58 = tpu.memref_slice %arg9[%multiple_of3A_56, %dma_wait3A_57] : memref<160x128xf32, #tpu.memory_space<vmem>> -> memref<80x128xf32, #tpu.memory_space<vmem>>
      %dma_wait3A_59 = tpu.memref_slice %arg7[%multiple_of3A_53] : memref<10000xi32, #tpu.memory_space<vmem>> -> memref<80xi32, #tpu.memory_space<vmem>>
      %dma_wait3A_60 = arith.constant 0 : i32
      %dma_wait3A_61 = arith.constant 0 : i32
      %dma_wait3A_62 = tpu.memref_slice %arg2[%dma_wait3A_60, %dma_wait3A_61] : memref<10000x128xf32, #tpu.memory_space<hbm>> -> memref<10000x128xf32, #tpu.memory_space<hbm>>
      %dma_wait3A_63 = tpu.memref_slice %arg11[%rem3A_48] : memref<2x!tpu.dma_semaphore, #tpu.memory_space<semaphore_mem>> -> memref<1x!tpu.dma_semaphore, #tpu.memory_space<semaphore_mem>>
      %dma_wait3A_64 = tpu.memref_squeeze %dma_wait3A_63 : memref<1x!tpu.dma_semaphore, #tpu.memory_space<semaphore_mem>> -> memref<!tpu.dma_semaphore, #tpu.memory_space<semaphore_mem>>
      tpu.wait_indirect_dma semaphore(%dma_wait3A_64 : memref<!tpu.dma_semaphore, #tpu.memory_space<semaphore_mem>>) src(%dma_wait3A_62 : memref<10000x128xf32, #tpu.memory_space<hbm>>) dst(%dma_wait3A_58 : memref<80x128xf32, #tpu.memory_space<vmem>>)
      %mul3A_65 = arith.constant 80 : i32
      %mul3A_66 = arith.muli %rem3A_48, %mul3A_65 : i32
      %multiple_of3A_67 = tpu.assume_multiple %mul3A_66, 8 : i32
      %dma_start3A_68 = arith.constant 0 : i32
      %dma_start3A_69 = tpu.memref_slice %arg9[%multiple_of3A_67, %dma_start3A_68] : memref<160x128xf32, #tpu.memory_space<vmem>> -> memref<80x128xf32, #tpu.memory_space<vmem>>
      %dma_start3A_70 = arith.constant 0 : i32
      %dma_start3A_71 = tpu.memref_slice %arg8[%scan3A_47, %dma_start3A_70] : memref<125x80xi32, #tpu.memory_space<vmem>> -> memref<1x80xi32, #tpu.memory_space<vmem>>
      %dma_start3A_72 = tpu.memref_squeeze %dma_start3A_71 : memref<1x80xi32, #tpu.memory_space<vmem>> -> memref<80xi32, #tpu.memory_space<vmem>>
      %dma_start3A_73 = arith.constant 0 : i32
      %dma_start3A_74 = arith.constant 0 : i32
      %dma_start3A_75 = tpu.memref_slice %arg10[%dma_start3A_73, %dma_start3A_74] : memref<10240x128xf32, #tpu.memory_space<vmem_shared>> -> memref<10240x128xf32, #tpu.memory_space<vmem_shared>>
      %dma_start3A_76 = tpu.memref_slice %arg12[%rem3A_48] : memref<2x!tpu.dma_semaphore, #tpu.memory_space<semaphore_mem>> -> memref<1x!tpu.dma_semaphore, #tpu.memory_space<semaphore_mem>>
      %dma_start3A_77 = tpu.memref_squeeze %dma_start3A_76 : memref<1x!tpu.dma_semaphore, #tpu.memory_space<semaphore_mem>> -> memref<!tpu.dma_semaphore, #tpu.memory_space<semaphore_mem>>
      tpu.enqueue_indirect_dma source(%dma_start3A_69 : memref<80x128xf32, #tpu.memory_space<vmem>>) target(%dma_start3A_75 : memref<10240x128xf32, #tpu.memory_space<vmem_shared>>) offsets(%dma_start3A_72 : memref<80xi32, #tpu.memory_space<vmem>>) semaphore(%dma_start3A_77 : memref<!tpu.dma_semaphore, #tpu.memory_space<semaphore_mem>>) {add = true}
    }
    %scan3A_18 = arith.constant 125 : i32
    %multiple_of3A_19 = arith.constant 80 : i32
    %multiple_of3A_20 = tpu.assume_multiple %multiple_of3A_19, 8 : i32
    %dma_wait3A = arith.constant 0 : i32
    %dma_wait3A_21 = arith.constant 1 : i32
    %dma_wait3A_22 = arith.constant 0 : i32
    %dma_wait3A_23 = tpu.memref_slice %arg9[%multiple_of3A_20, %dma_wait3A_22] : memref<160x128xf32, #tpu.memory_space<vmem>> -> memref<80x128xf32, #tpu.memory_space<vmem>>
    %dma_wait3A_24 = arith.constant 0 : i32
    %dma_wait3A_25 = tpu.memref_slice %arg8[%dma_wait3A, %dma_wait3A_24] : memref<125x80xi32, #tpu.memory_space<vmem>> -> memref<1x80xi32, #tpu.memory_space<vmem>>
    %dma_wait3A_26 = tpu.memref_squeeze %dma_wait3A_25 : memref<1x80xi32, #tpu.memory_space<vmem>> -> memref<80xi32, #tpu.memory_space<vmem>>
    %dma_wait3A_27 = arith.constant 0 : i32
    %dma_wait3A_28 = arith.constant 0 : i32
    %dma_wait3A_29 = tpu.memref_slice %arg10[%dma_wait3A_27, %dma_wait3A_28] : memref<10240x128xf32, #tpu.memory_space<vmem_shared>> -> memref<10240x128xf32, #tpu.memory_space<vmem_shared>>
    %dma_wait3A_30 = tpu.memref_slice %arg12[%dma_wait3A_21] : memref<2x!tpu.dma_semaphore, #tpu.memory_space<semaphore_mem>> -> memref<1x!tpu.dma_semaphore, #tpu.memory_space<semaphore_mem>>
    %dma_wait3A_31 = tpu.memref_squeeze %dma_wait3A_30 : memref<1x!tpu.dma_semaphore, #tpu.memory_space<semaphore_mem>> -> memref<!tpu.dma_semaphore, #tpu.memory_space<semaphore_mem>>
    tpu.wait_indirect_dma semaphore(%dma_wait3A_31 : memref<!tpu.dma_semaphore, #tpu.memory_space<semaphore_mem>>) src(%dma_wait3A_23 : memref<80x128xf32, #tpu.memory_space<vmem>>) dst(%dma_wait3A_29 : memref<10240x128xf32, #tpu.memory_space<vmem_shared>>)
    %multiple_of3A_32 = arith.constant 0 : i32
    %multiple_of3A_33 = tpu.assume_multiple %multiple_of3A_32, 8 : i32
    %dma_wait3A_34 = arith.constant 0 : i32
    %dma_wait3A_35 = arith.constant 0 : i32
    %dma_wait3A_36 = arith.constant 0 : i32
    %dma_wait3A_37 = tpu.memref_slice %arg9[%multiple_of3A_33, %dma_wait3A_36] : memref<160x128xf32, #tpu.memory_space<vmem>> -> memref<80x128xf32, #tpu.memory_space<vmem>>
    %dma_wait3A_38 = arith.constant 0 : i32
    %dma_wait3A_39 = tpu.memref_slice %arg8[%dma_wait3A_34, %dma_wait3A_38] : memref<125x80xi32, #tpu.memory_space<vmem>> -> memref<1x80xi32, #tpu.memory_space<vmem>>
    %dma_wait3A_40 = tpu.memref_squeeze %dma_wait3A_39 : memref<1x80xi32, #tpu.memory_space<vmem>> -> memref<80xi32, #tpu.memory_space<vmem>>
    %dma_wait3A_41 = arith.constant 0 : i32
    %dma_wait3A_42 = arith.constant 0 : i32
    %dma_wait3A_43 = tpu.memref_slice %arg10[%dma_wait3A_41, %dma_wait3A_42] : memref<10240x128xf32, #tpu.memory_space<vmem_shared>> -> memref<10240x128xf32, #tpu.memory_space<vmem_shared>>
    %dma_wait3A_44 = tpu.memref_slice %arg12[%dma_wait3A_35] : memref<2x!tpu.dma_semaphore, #tpu.memory_space<semaphore_mem>> -> memref<1x!tpu.dma_semaphore, #tpu.memory_space<semaphore_mem>>
    %dma_wait3A_45 = tpu.memref_squeeze %dma_wait3A_44 : memref<1x!tpu.dma_semaphore, #tpu.memory_space<semaphore_mem>> -> memref<!tpu.dma_semaphore, #tpu.memory_space<semaphore_mem>>
    tpu.wait_indirect_dma semaphore(%dma_wait3A_45 : memref<!tpu.dma_semaphore, #tpu.memory_space<semaphore_mem>>) src(%dma_wait3A_37 : memref<80x128xf32, #tpu.memory_space<vmem>>) dst(%dma_wait3A_43 : memref<10240x128xf32, #tpu.memory_space<vmem_shared>>)
    %barrier3A_46 = arith.constant 0 : index
    tpu.barrier barrier_id(%barrier3A_46)
    "tpu.region"() ({
      %run_scoped3A = tpu.sem_alloc : memref<!tpu.dma_semaphore, #tpu.memory_space<semaphore_mem>>
      %dma_start3A_47 = arith.constant 0 : i32
      %dma_start3A_48 = tpu.memref_slice %arg6[%arg0, %mul3A_2, %dma_start3A_47] : memref<2x10240x128xf32, #tpu.memory_space<hbm>> -> memref<1x640x128xf32, #tpu.memory_space<hbm>>
      %dma_start3A_49 = tpu.memref_squeeze %dma_start3A_48 : memref<1x640x128xf32, #tpu.memory_space<hbm>> -> memref<640x128xf32, #tpu.memory_space<hbm>>
      %dma_start3A_50 = arith.constant 0 : i32
      %dma_start3A_51 = tpu.memref_slice %arg10[%mul3A_2, %dma_start3A_50] : memref<10240x128xf32, #tpu.memory_space<vmem_shared>> -> memref<640x128xf32, #tpu.memory_space<vmem_shared>>
      tpu.enqueue_dma source(%dma_start3A_51 : memref<640x128xf32, #tpu.memory_space<vmem_shared>>) target(%dma_start3A_49 : memref<640x128xf32, #tpu.memory_space<hbm>>) target_semaphore(%run_scoped3A : memref<!tpu.dma_semaphore, #tpu.memory_space<semaphore_mem>>)
      %dma_wait3A_52 = arith.constant 0 : i32
      %dma_wait3A_53 = tpu.memref_slice %arg6[%arg0, %mul3A_2, %dma_wait3A_52] : memref<2x10240x128xf32, #tpu.memory_space<hbm>> -> memref<1x640x128xf32, #tpu.memory_space<hbm>>
      %dma_wait3A_54 = tpu.memref_squeeze %dma_wait3A_53 : memref<1x640x128xf32, #tpu.memory_space<hbm>> -> memref<640x128xf32, #tpu.memory_space<hbm>>
      %dma_wait3A_55 = arith.constant 0 : i32
      %dma_wait3A_56 = tpu.memref_slice %arg10[%mul3A_2, %dma_wait3A_55] : memref<10240x128xf32, #tpu.memory_space<vmem_shared>> -> memref<640x128xf32, #tpu.memory_space<vmem_shared>>
      tpu.wait_dma2 semaphore(%run_scoped3A : memref<!tpu.dma_semaphore, #tpu.memory_space<semaphore_mem>>) src(%dma_wait3A_56 : memref<640x128xf32, #tpu.memory_space<vmem_shared>>) dst(%dma_wait3A_54 : memref<640x128xf32, #tpu.memory_space<hbm>>)
      tpu.yield
    }) : () -> ()
    return
  }
}

module attributes {stable_mosaic.version = 14 : i64} {
  func.func @_enc_body(%arg0: i32, %arg1: memref<1000x128xf32, #tpu.memory_space<vmem>>, %arg2: memref<128x128xf32, #tpu.memory_space<vmem>>, %arg3: memref<1x128xf32, #tpu.memory_space<vmem>>, %arg4: memref<1000x128xf32, #tpu.memory_space<vmem>>) attributes {dimension_semantics = [#tpu.dimension_semantics<arbitrary>], iteration_bounds = array<i64: 10>, scalar_prefetch = 0 : i64, scratch_operands = 0 : i64, tpu.core_type = #tpu.core_type<tc>, window_params = [{transform_indices = @transform_0, window_bounds = array<i64: 1000, 128>}, {pipeline_mode = #tpu.pipeline_mode<synchronous>, transform_indices = @transform_1, window_bounds = array<i64: 128, 128>}, {pipeline_mode = #tpu.pipeline_mode<synchronous>, transform_indices = @transform_2, window_bounds = array<i64: 1, 128>}, {transform_indices = @transform_3, window_bounds = array<i64: 1000, 128>}]} {
    %get3A = arith.constant 0 : index
    %get3A_0 = arith.constant 0 : index
    %get3A_1 = vector.load %arg1[%get3A, %get3A_0] : memref<1000x128xf32, #tpu.memory_space<vmem>>, vector<1000x128xf32>
    %get3A_2 = arith.constant 0 : index
    %get3A_3 = arith.constant 0 : index
    %get3A_4 = vector.load %arg2[%get3A_2, %get3A_3] : memref<128x128xf32, #tpu.memory_space<vmem>>, vector<128x128xf32>
    %dot_general3A = arith.constant dense<0.000000e+00> : vector<1000x128xf32>
    %dot_general3A_5 = tpu.matmul %get3A_1, %get3A_4, %dot_general3A {dimension_numbers = #tpu.dot_dimension_numbers<[1], [0], [0], [1], [0, 0, 1, 1], [], []>, precision = #tpu.contract_precision<fp32>, transpose_lhs_hint = false} : vector<1000x128xf32>, vector<128x128xf32>, vector<1000x128xf32> -> vector<1000x128xf32>
    %get3A_6 = arith.constant 0 : index
    %get3A_7 = arith.constant 0 : index
    %get3A_8 = vector.load %arg3[%get3A_6, %get3A_7] : memref<1x128xf32, #tpu.memory_space<vmem>>, vector<1x128xf32>
    %add3A = vector.broadcast %get3A_8 : vector<1x128xf32> to vector<1000x128xf32>
    %add3A_9 = arith.addf %dot_general3A_5, %add3A : vector<1000x128xf32>
    %swap3A = arith.constant 0 : index
    %swap3A_10 = arith.constant 0 : index
    %swap3A_11 = vector.load %arg4[%swap3A, %swap3A_10] : memref<1000x128xf32, #tpu.memory_space<vmem>>, vector<1000x128xf32>
    tpu.vector_store %arg4[%swap3A, %swap3A_10], %add3A_9 {strides = array<i32>} : memref<1000x128xf32, #tpu.memory_space<vmem>>, vector<1000x128xf32>,
    return
  }
  func.func @transform_0(%arg0: i32) -> (i32, i32) {
    %c0_i32 = arith.constant 0 : i32
    %c0_i32_0 = arith.constant 0 : i32
    return %arg0, %c0_i32 : i32, i32
  }
  func.func @transform_1(%arg0: i32) -> (i32, i32) {
    %c0_i32 = arith.constant 0 : i32
    %c0_i32_0 = arith.constant 0 : i32
    %c0_i32_1 = arith.constant 0 : i32
    return %c0_i32, %c0_i32_0 : i32, i32
  }
  func.func @transform_2(%arg0: i32) -> (i32, i32) {
    %c0_i32 = arith.constant 0 : i32
    %c0_i32_0 = arith.constant 0 : i32
    %c0_i32_1 = arith.constant 0 : i32
    return %c0_i32, %c0_i32_0 : i32, i32
  }
  func.func @transform_3(%arg0: i32) -> (i32, i32) {
    %c0_i32 = arith.constant 0 : i32
    %c0_i32_0 = arith.constant 0 : i32
    return %arg0, %c0_i32 : i32, i32
  }
}

module attributes {stable_mosaic.version = 14 : i64} {
  func.func @_layer_body(%arg0: i32, %arg1: memref<1000x128xf32, #tpu.memory_space<vmem>>, %arg2: memref<2x1000x128xf32, #tpu.memory_space<vmem>>, %arg3: memref<2x1000x1xf32, #tpu.memory_space<vmem>>, %arg4: memref<256x128xf32, #tpu.memory_space<vmem>>, %arg5: memref<1x128xf32, #tpu.memory_space<vmem>>, %arg6: memref<1x128xf32, #tpu.memory_space<vmem>>, %arg7: memref<1x128xf32, #tpu.memory_space<vmem>>, %arg8: memref<128x128xf32, #tpu.memory_space<vmem>>, %arg9: memref<1x128xf32, #tpu.memory_space<vmem>>, %arg10: memref<1x128xf32, #tpu.memory_space<vmem>>, %arg11: memref<1x128xf32, #tpu.memory_space<vmem>>, %arg12: memref<1000x128xf32, #tpu.memory_space<vmem>>, %arg13: memref<1x128xf32, #tpu.memory_space<vmem>>, %arg14: memref<1000x1xf32, #tpu.memory_space<vmem>>, %arg15: memref<10000x128xf32, #tpu.memory_space<vmem>>, %arg16: memref<10000x128xf32, #tpu.memory_space<vmem>>, %arg17: memref<2x128xf32, #tpu.memory_space<vmem>>, %arg18: memref<2x128xf32, #tpu.memory_space<vmem>>) attributes {dimension_semantics = [#tpu.dimension_semantics<arbitrary>], iteration_bounds = array<i64: 30>, scalar_prefetch = 0 : i64, scratch_operands = 4 : i64, tpu.core_type = #tpu.core_type<tc>, window_params = [{transform_indices = @transform_0, window_bounds = array<i64: 1000, 128>}, {transform_indices = @transform_1, window_bounds = array<i64: 2, 1000, 128>}, {transform_indices = @transform_2, window_bounds = array<i64: 2, 1000, 1>}, {pipeline_mode = #tpu.pipeline_mode<synchronous>, transform_indices = @transform_3, window_bounds = array<i64: 256, 128>}, {pipeline_mode = #tpu.pipeline_mode<synchronous>, transform_indices = @transform_4, window_bounds = array<i64: 1, 128>}, {pipeline_mode = #tpu.pipeline_mode<synchronous>, transform_indices = @transform_5, window_bounds = array<i64: 1, 128>}, {pipeline_mode = #tpu.pipeline_mode<synchronous>, transform_indices = @transform_6, window_bounds = array<i64: 1, 128>}, {pipeline_mode = #tpu.pipeline_mode<synchronous>, transform_indices = @transform_7, window_bounds = array<i64: 128, 128>}, {pipeline_mode = #tpu.pipeline_mode<synchronous>, transform_indices = @transform_8, window_bounds = array<i64: 1, 128>}, {pipeline_mode = #tpu.pipeline_mode<synchronous>, transform_indices = @transform_9, window_bounds = array<i64: 1, 128>}, {pipeline_mode = #tpu.pipeline_mode<synchronous>, transform_indices = @transform_10, window_bounds = array<i64: 1, 128>}, {transform_indices = @transform_11, window_bounds = array<i64: 1000, 128>}, {pipeline_mode = #tpu.pipeline_mode<synchronous>, transform_indices = @transform_12, window_bounds = array<i64: 1, 128>}, {transform_indices = @transform_13, window_bounds = array<i64: 1000, 1>}]} {
    %jit3A = arith.constant 10 : i32
    %div3A = arith.divsi %arg0, %jit3A : i32
    %sign3A = arith.constant 0 : i32
    %sign3A_0 = arith.cmpi sgt, %arg0, %sign3A : i32
    %sign3A_1 = arith.extui %sign3A_0 : i1 to i32
    %sign3A_2 = arith.constant 0 : i32
    %sign3A_3 = arith.cmpi slt, %arg0, %sign3A_2 : i32
    %sign3A_4 = arith.extui %sign3A_3 : i1 to i32
    %sign3A_5 = arith.subi %sign3A_1, %sign3A_4 : i32
    %sign3A_6 = arith.constant 0 : i32
    %sign3A_7 = arith.cmpi sgt, %jit3A, %sign3A_6 : i32
    %sign3A_8 = arith.extui %sign3A_7 : i1 to i32
    %sign3A_9 = arith.constant 0 : i32
    %sign3A_10 = arith.cmpi slt, %jit3A, %sign3A_9 : i32
    %sign3A_11 = arith.extui %sign3A_10 : i1 to i32
    %sign3A_12 = arith.subi %sign3A_8, %sign3A_11 : i32
    %ne3A = arith.cmpi ne, %sign3A_5, %sign3A_12 : i32
    %rem3A = arith.remsi %arg0, %jit3A : i32
    %ne3A_13 = arith.constant 0 : i32
    %ne3A_14 = arith.cmpi ne, %rem3A, %ne3A_13 : i32
    %and3A = arith.andi %ne3A, %ne3A_14 : i1
    %sub3A = arith.constant 1 : i32
    %sub3A_15 = arith.subi %div3A, %sub3A : i32
    %select_n3A = arith.select %and3A, %sub3A_15, %div3A : i32
    %jit3A_16 = arith.constant 10 : i32
    %eq3A = arith.constant 0 : i32
    %eq3A_17 = arith.cmpi eq, %jit3A_16, %eq3A : i32
    %jit3A_18 = arith.constant 1 : i32
    %select_n3A_19 = arith.select %eq3A_17, %jit3A_18, %jit3A_16 : i32
    %rem3A_20 = arith.remsi %arg0, %select_n3A_19 : i32
    %ne3A_21 = arith.constant 0 : i32
    %ne3A_22 = arith.cmpi ne, %rem3A_20, %ne3A_21 : i32
    %lt3A = arith.constant 0 : i32
    %lt3A_23 = arith.cmpi slt, %rem3A_20, %lt3A : i32
    %lt3A_24 = arith.constant 0 : i32
    %lt3A_25 = arith.cmpi slt, %select_n3A_19, %lt3A_24 : i32
    %ne3A_26 = arith.xori %lt3A_23, %lt3A_25 : i1
    %and3A_27 = arith.andi %ne3A_26, %ne3A_22 : i1
    %add3A = arith.addi %rem3A_20, %select_n3A_19 : i32
    %select_n3A_28 = arith.select %and3A_27, %add3A, %rem3A_20 : i32
    %mul3A = arith.constant 1000 : i32
    %mul3A_29 = arith.muli %select_n3A_28, %mul3A : i32
    %multiple_of3A = tpu.assume_multiple %mul3A_29, 8 : i32
    %eq3A_30 = arith.constant 0 : i32
    %eq3A_31 = arith.cmpi eq, %select_n3A, %eq3A_30 : i32
    %convert_element_type3A = arith.extui %eq3A_31 : i1 to i32
    %cond3A = arith.constant 0 : i32
    %cond3A_32 = arith.cmpi ne, %convert_element_type3A, %cond3A : i32
    scf.if %cond3A_32 {
      %get3A = arith.constant 0 : index
      %get3A_43 = arith.constant 0 : index
      %get3A_44 = arith.constant 0 : index
      %get3A_45 = vector.load %arg2[%get3A, %get3A_43, %get3A_44] : memref<2x1000x128xf32, #tpu.memory_space<vmem>>, vector<1x1000x128xf32>
      %get3A_46 = vector.shape_cast %get3A_45 : vector<1x1000x128xf32> to vector<1000x128xf32>
      %get3A_47 = arith.constant 1 : index
      %get3A_48 = arith.constant 0 : index
      %get3A_49 = arith.constant 0 : index
      %get3A_50 = vector.load %arg2[%get3A_47, %get3A_48, %get3A_49] : memref<2x1000x128xf32, #tpu.memory_space<vmem>>, vector<1x1000x128xf32>
      %get3A_51 = vector.shape_cast %get3A_50 : vector<1x1000x128xf32> to vector<1000x128xf32>
      %add3A_52 = arith.addf %get3A_46, %get3A_51 : vector<1000x128xf32>
      %get3A_53 = arith.constant 0 : index
      %get3A_54 = arith.constant 0 : index
      %get3A_55 = arith.constant 0 : index
      %get3A_56 = vector.load %arg3[%get3A_53, %get3A_54, %get3A_55] : memref<2x1000x1xf32, #tpu.memory_space<vmem>>, vector<1x1000x1xf32>
      %get3A_57 = vector.shape_cast %get3A_56 : vector<1x1000x1xf32> to vector<1000x1xf32>
      %get3A_58 = arith.constant 1 : index
      %get3A_59 = arith.constant 0 : index
      %get3A_60 = arith.constant 0 : index
      %get3A_61 = vector.load %arg3[%get3A_58, %get3A_59, %get3A_60] : memref<2x1000x1xf32, #tpu.memory_space<vmem>>, vector<1x1000x1xf32>
      %get3A_62 = vector.shape_cast %get3A_61 : vector<1x1000x1xf32> to vector<1000x1xf32>
      %add3A_63 = arith.addf %get3A_57, %get3A_62 : vector<1000x1xf32>
      %max3A = arith.constant 1.000000e+00 : f32
      %max3A_64 = vector.broadcast %max3A : f32 to vector<1000x1xf32>
      %max3A_65 = arith.maximumf %add3A_63, %max3A_64 : vector<1000x1xf32>
      %div3A_66 = arith.constant 1.000000e+00 : f32
      %div3A_67 = vector.broadcast %div3A_66 : f32 to vector<1000x1xf32>
      %div3A_68 = arith.divf %div3A_67, %max3A_65 : vector<1000x1xf32>
      %mul3A_69 = vector.broadcast %div3A_68 : vector<1000x1xf32> to vector<1000x128xf32>
      %mul3A_70 = arith.mulf %add3A_52, %mul3A_69 : vector<1000x128xf32>
      %get3A_71 = arith.constant 0 : index
      %get3A_72 = arith.constant 0 : index
      %get3A_73 = vector.load %arg4[%get3A_71, %get3A_72] : memref<256x128xf32, #tpu.memory_space<vmem>>, vector<256x128xf32>
      %get3A_74 = arith.constant 0 : index
      %get3A_75 = arith.constant 0 : index
      %get3A_76 = vector.load %arg1[%get3A_74, %get3A_75] : memref<1000x128xf32, #tpu.memory_space<vmem>>, vector<1000x128xf32>
      %slice3A = vector.extract_strided_slice %get3A_73 {offsets = [0, 0], sizes = [128, 128], strides = [1, 1]} : vector<256x128xf32> to vector<128x128xf32>
      %dot_general3A = arith.constant dense<0.000000e+00> : vector<1000x128xf32>
      %dot_general3A_77 = tpu.matmul %get3A_76, %slice3A, %dot_general3A {dimension_numbers = #tpu.dot_dimension_numbers<[1], [0], [0], [1], [0, 0, 1, 1], [], []>, precision = #tpu.contract_precision<fp32>, transpose_lhs_hint = false} : vector<1000x128xf32>, vector<128x128xf32>, vector<1000x128xf32> -> vector<1000x128xf32>
      %slice3A_78 = vector.extract_strided_slice %get3A_73 {offsets = [128, 0], sizes = [128, 128], strides = [1, 1]} : vector<256x128xf32> to vector<128x128xf32>
      %dot_general3A_79 = arith.constant dense<0.000000e+00> : vector<1000x128xf32>
      %dot_general3A_80 = tpu.matmul %mul3A_70, %slice3A_78, %dot_general3A_79 {dimension_numbers = #tpu.dot_dimension_numbers<[1], [0], [0], [1], [0, 0, 1, 1], [], []>, precision = #tpu.contract_precision<fp32>, transpose_lhs_hint = false} : vector<1000x128xf32>, vector<128x128xf32>, vector<1000x128xf32> -> vector<1000x128xf32>
      %add3A_81 = arith.addf %dot_general3A_77, %dot_general3A_80 : vector<1000x128xf32>
      %get3A_82 = arith.constant 0 : index
      %get3A_83 = arith.constant 0 : index
      %get3A_84 = vector.load %arg5[%get3A_82, %get3A_83] : memref<1x128xf32, #tpu.memory_space<vmem>>, vector<1x128xf32>
      %add3A_85 = vector.broadcast %get3A_84 : vector<1x128xf32> to vector<1000x128xf32>
      %add3A_86 = arith.addf %add3A_81, %add3A_85 : vector<1000x128xf32>
      %swap3A = arith.index_cast %multiple_of3A : i32 to index
      %swap3A_87 = arith.constant 0 : index
      %swap3A_88 = vector.load %arg15[%swap3A, %swap3A_87] : memref<10000x128xf32, #tpu.memory_space<vmem>>, vector<1000x128xf32>
      tpu.vector_store %arg15[%swap3A, %swap3A_87], %add3A_86 {strides = array<i32>} : memref<10000x128xf32, #tpu.memory_space<vmem>>, vector<1000x128xf32>,
      %eq3A_89 = arith.constant 0 : i32
      %eq3A_90 = arith.cmpi eq, %arg0, %eq3A_89 : i32
      %convert_element_type3A_91 = arith.extui %eq3A_90 : i1 to i32
      %cond3A_92 = arith.constant 0 : i32
      %cond3A_93 = arith.cmpi ne, %convert_element_type3A_91, %cond3A_92 : i32
      scf.if %cond3A_93 {
        %broadcast_in_dim3A = arith.constant 0.000000e+00 : f32
        %broadcast_in_dim3A_107 = vector.broadcast %broadcast_in_dim3A : f32 to vector<2x128xf32>
        %swap3A_108 = arith.constant 0 : index
        %swap3A_109 = arith.constant 0 : index
        %swap3A_110 = vector.load %arg17[%swap3A_108, %swap3A_109] : memref<2x128xf32, #tpu.memory_space<vmem>>, vector<2x128xf32>
        tpu.vector_store %arg17[%swap3A_108, %swap3A_109], %broadcast_in_dim3A_107 {strides = array<i32>} : memref<2x128xf32, #tpu.memory_space<vmem>>, vector<2x128xf32>,
      } else {
      }
      %get3A_94 = arith.constant 0 : index
      %get3A_95 = arith.constant 0 : index
      %get3A_96 = vector.load %arg17[%get3A_94, %get3A_95] : memref<2x128xf32, #tpu.memory_space<vmem>>, vector<2x128xf32>
      %reduce_sum3A = arith.constant dense<0.000000e+00> : vector<128xf32>
      %reduce_sum3A_97 = vector.multi_reduction <add>, %add3A_86, %reduce_sum3A [0] : vector<1000x128xf32> to vector<128xf32>
      %mul3A_98 = arith.mulf %add3A_86, %add3A_86 : vector<1000x128xf32>
      %reduce_sum3A_99 = arith.constant dense<0.000000e+00> : vector<128xf32>
      %reduce_sum3A_100 = vector.multi_reduction <add>, %mul3A_98, %reduce_sum3A_99 [0] : vector<1000x128xf32> to vector<128xf32>
      %stack3A = vector.shape_cast %reduce_sum3A_97 : vector<128xf32> to vector<1x128xf32>
      %stack3A_101 = vector.shape_cast %reduce_sum3A_100 : vector<128xf32> to vector<1x128xf32>
      %stack3A_102 = tpu.concatenate %stack3A, %stack3A_101 in 0 : vector<1x128xf32>, vector<1x128xf32> -> vector<2x128xf32>
      %add3A_103 = arith.addf %get3A_96, %stack3A_102 : vector<2x128xf32>
      %swap3A_104 = arith.constant 0 : index
      %swap3A_105 = arith.constant 0 : index
      %swap3A_106 = vector.load %arg17[%swap3A_104, %swap3A_105] : memref<2x128xf32, #tpu.memory_space<vmem>>, vector<2x128xf32>
      tpu.vector_store %arg17[%swap3A_104, %swap3A_105], %add3A_103 {strides = array<i32>} : memref<2x128xf32, #tpu.memory_space<vmem>>, vector<2x128xf32>,
    } else {
    }
    %eq3A_33 = arith.constant 1 : i32
    %eq3A_34 = arith.cmpi eq, %select_n3A, %eq3A_33 : i32
    %convert_element_type3A_35 = arith.extui %eq3A_34 : i1 to i32
    %cond3A_36 = arith.constant 0 : i32
    %cond3A_37 = arith.cmpi ne, %convert_element_type3A_35, %cond3A_36 : i32
    scf.if %cond3A_37 {
      %get3A = arith.constant 0 : index
      %get3A_43 = arith.constant 0 : index
      %get3A_44 = vector.load %arg17[%get3A, %get3A_43] : memref<2x128xf32, #tpu.memory_space<vmem>>, vector<1x128xf32>
      %div3A_45 = arith.constant 1.000000e+04 : f32
      %div3A_46 = vector.broadcast %div3A_45 : f32 to vector<1x128xf32>
      %div3A_47 = arith.divf %get3A_44, %div3A_46 : vector<1x128xf32>
      %get3A_48 = arith.constant 1 : index
      %get3A_49 = arith.constant 0 : index
      %get3A_50 = vector.load %arg17[%get3A_48, %get3A_49] : memref<2x128xf32, #tpu.memory_space<vmem>>, vector<1x128xf32>
      %div3A_51 = arith.constant 1.000000e+04 : f32
      %div3A_52 = vector.broadcast %div3A_51 : f32 to vector<1x128xf32>
      %div3A_53 = arith.divf %get3A_50, %div3A_52 : vector<1x128xf32>
      %mul3A_54 = arith.mulf %div3A_47, %div3A_47 : vector<1x128xf32>
      %sub3A_55 = arith.subf %div3A_53, %mul3A_54 : vector<1x128xf32>
      %add3A_56 = arith.constant 9.99999974E-6 : f32
      %add3A_57 = vector.broadcast %add3A_56 : f32 to vector<1x128xf32>
      %add3A_58 = arith.addf %sub3A_55, %add3A_57 : vector<1x128xf32>
      %rsqrt3A = math.rsqrt %add3A_58 : vector<1x128xf32>
      %get3A_59 = arith.constant 0 : index
      %get3A_60 = arith.constant 0 : index
      %get3A_61 = vector.load %arg6[%get3A_59, %get3A_60] : memref<1x128xf32, #tpu.memory_space<vmem>>, vector<1x128xf32>
      %mul3A_62 = arith.mulf %rsqrt3A, %get3A_61 : vector<1x128xf32>
      %get3A_63 = arith.constant 0 : index
      %get3A_64 = arith.constant 0 : index
      %get3A_65 = vector.load %arg7[%get3A_63, %get3A_64] : memref<1x128xf32, #tpu.memory_space<vmem>>, vector<1x128xf32>
      %get3A_66 = arith.index_cast %multiple_of3A : i32 to index
      %get3A_67 = arith.constant 0 : index
      %get3A_68 = vector.load %arg15[%get3A_66, %get3A_67] : memref<10000x128xf32, #tpu.memory_space<vmem>>, vector<1000x128xf32>
      %sub3A_69 = vector.broadcast %div3A_47 : vector<1x128xf32> to vector<1000x128xf32>
      %sub3A_70 = arith.subf %get3A_68, %sub3A_69 : vector<1000x128xf32>
      %mul3A_71 = vector.broadcast %mul3A_62 : vector<1x128xf32> to vector<1000x128xf32>
      %mul3A_72 = arith.mulf %sub3A_70, %mul3A_71 : vector<1000x128xf32>
      %add3A_73 = vector.broadcast %get3A_65 : vector<1x128xf32> to vector<1000x128xf32>
      %add3A_74 = arith.addf %mul3A_72, %add3A_73 : vector<1000x128xf32>
      %max3A = arith.constant 0.000000e+00 : f32
      %max3A_75 = vector.broadcast %max3A : f32 to vector<1000x128xf32>
      %max3A_76 = arith.maximumf %add3A_74, %max3A_75 : vector<1000x128xf32>
      %get3A_77 = arith.constant 0 : index
      %get3A_78 = arith.constant 0 : index
      %get3A_79 = vector.load %arg8[%get3A_77, %get3A_78] : memref<128x128xf32, #tpu.memory_space<vmem>>, vector<128x128xf32>
      %dot_general3A = arith.constant dense<0.000000e+00> : vector<1000x128xf32>
      %dot_general3A_80 = tpu.matmul %max3A_76, %get3A_79, %dot_general3A {dimension_numbers = #tpu.dot_dimension_numbers<[1], [0], [0], [1], [0, 0, 1, 1], [], []>, precision = #tpu.contract_precision<fp32>, transpose_lhs_hint = false} : vector<1000x128xf32>, vector<128x128xf32>, vector<1000x128xf32> -> vector<1000x128xf32>
      %get3A_81 = arith.constant 0 : index
      %get3A_82 = arith.constant 0 : index
      %get3A_83 = vector.load %arg9[%get3A_81, %get3A_82] : memref<1x128xf32, #tpu.memory_space<vmem>>, vector<1x128xf32>
      %add3A_84 = vector.broadcast %get3A_83 : vector<1x128xf32> to vector<1000x128xf32>
      %add3A_85 = arith.addf %dot_general3A_80, %add3A_84 : vector<1000x128xf32>
      %swap3A = arith.index_cast %multiple_of3A : i32 to index
      %swap3A_86 = arith.constant 0 : index
      %swap3A_87 = vector.load %arg16[%swap3A, %swap3A_86] : memref<10000x128xf32, #tpu.memory_space<vmem>>, vector<1000x128xf32>
      tpu.vector_store %arg16[%swap3A, %swap3A_86], %add3A_85 {strides = array<i32>} : memref<10000x128xf32, #tpu.memory_space<vmem>>, vector<1000x128xf32>,
      %eq3A_88 = arith.constant 10 : i32
      %eq3A_89 = arith.cmpi eq, %arg0, %eq3A_88 : i32
      %convert_element_type3A_90 = arith.extui %eq3A_89 : i1 to i32
      %cond3A_91 = arith.constant 0 : i32
      %cond3A_92 = arith.cmpi ne, %convert_element_type3A_90, %cond3A_91 : i32
      scf.if %cond3A_92 {
        %broadcast_in_dim3A = arith.constant 0.000000e+00 : f32
        %broadcast_in_dim3A_106 = vector.broadcast %broadcast_in_dim3A : f32 to vector<2x128xf32>
        %swap3A_107 = arith.constant 0 : index
        %swap3A_108 = arith.constant 0 : index
        %swap3A_109 = vector.load %arg18[%swap3A_107, %swap3A_108] : memref<2x128xf32, #tpu.memory_space<vmem>>, vector<2x128xf32>
        tpu.vector_store %arg18[%swap3A_107, %swap3A_108], %broadcast_in_dim3A_106 {strides = array<i32>} : memref<2x128xf32, #tpu.memory_space<vmem>>, vector<2x128xf32>,
      } else {
      }
      %get3A_93 = arith.constant 0 : index
      %get3A_94 = arith.constant 0 : index
      %get3A_95 = vector.load %arg18[%get3A_93, %get3A_94] : memref<2x128xf32, #tpu.memory_space<vmem>>, vector<2x128xf32>
      %reduce_sum3A = arith.constant dense<0.000000e+00> : vector<128xf32>
      %reduce_sum3A_96 = vector.multi_reduction <add>, %add3A_85, %reduce_sum3A [0] : vector<1000x128xf32> to vector<128xf32>
      %mul3A_97 = arith.mulf %add3A_85, %add3A_85 : vector<1000x128xf32>
      %reduce_sum3A_98 = arith.constant dense<0.000000e+00> : vector<128xf32>
      %reduce_sum3A_99 = vector.multi_reduction <add>, %mul3A_97, %reduce_sum3A_98 [0] : vector<1000x128xf32> to vector<128xf32>
      %stack3A = vector.shape_cast %reduce_sum3A_96 : vector<128xf32> to vector<1x128xf32>
      %stack3A_100 = vector.shape_cast %reduce_sum3A_99 : vector<128xf32> to vector<1x128xf32>
      %stack3A_101 = tpu.concatenate %stack3A, %stack3A_100 in 0 : vector<1x128xf32>, vector<1x128xf32> -> vector<2x128xf32>
      %add3A_102 = arith.addf %get3A_95, %stack3A_101 : vector<2x128xf32>
      %swap3A_103 = arith.constant 0 : index
      %swap3A_104 = arith.constant 0 : index
      %swap3A_105 = vector.load %arg18[%swap3A_103, %swap3A_104] : memref<2x128xf32, #tpu.memory_space<vmem>>, vector<2x128xf32>
      tpu.vector_store %arg18[%swap3A_103, %swap3A_104], %add3A_102 {strides = array<i32>} : memref<2x128xf32, #tpu.memory_space<vmem>>, vector<2x128xf32>,
    } else {
    }
    %eq3A_38 = arith.constant 2 : i32
    %eq3A_39 = arith.cmpi eq, %select_n3A, %eq3A_38 : i32
    %convert_element_type3A_40 = arith.extui %eq3A_39 : i1 to i32
    %cond3A_41 = arith.constant 0 : i32
    %cond3A_42 = arith.cmpi ne, %convert_element_type3A_40, %cond3A_41 : i32
    scf.if %cond3A_42 {
      %get3A = arith.constant 0 : index
      %get3A_43 = arith.constant 0 : index
      %get3A_44 = vector.load %arg18[%get3A, %get3A_43] : memref<2x128xf32, #tpu.memory_space<vmem>>, vector<1x128xf32>
      %div3A_45 = arith.constant 1.000000e+04 : f32
      %div3A_46 = vector.broadcast %div3A_45 : f32 to vector<1x128xf32>
      %div3A_47 = arith.divf %get3A_44, %div3A_46 : vector<1x128xf32>
      %get3A_48 = arith.constant 1 : index
      %get3A_49 = arith.constant 0 : index
      %get3A_50 = vector.load %arg18[%get3A_48, %get3A_49] : memref<2x128xf32, #tpu.memory_space<vmem>>, vector<1x128xf32>
      %div3A_51 = arith.constant 1.000000e+04 : f32
      %div3A_52 = vector.broadcast %div3A_51 : f32 to vector<1x128xf32>
      %div3A_53 = arith.divf %get3A_50, %div3A_52 : vector<1x128xf32>
      %mul3A_54 = arith.mulf %div3A_47, %div3A_47 : vector<1x128xf32>
      %sub3A_55 = arith.subf %div3A_53, %mul3A_54 : vector<1x128xf32>
      %add3A_56 = arith.constant 9.99999974E-6 : f32
      %add3A_57 = vector.broadcast %add3A_56 : f32 to vector<1x128xf32>
      %add3A_58 = arith.addf %sub3A_55, %add3A_57 : vector<1x128xf32>
      %rsqrt3A = math.rsqrt %add3A_58 : vector<1x128xf32>
      %get3A_59 = arith.constant 0 : index
      %get3A_60 = arith.constant 0 : index
      %get3A_61 = vector.load %arg10[%get3A_59, %get3A_60] : memref<1x128xf32, #tpu.memory_space<vmem>>, vector<1x128xf32>
      %mul3A_62 = arith.mulf %rsqrt3A, %get3A_61 : vector<1x128xf32>
      %get3A_63 = arith.constant 0 : index
      %get3A_64 = arith.constant 0 : index
      %get3A_65 = vector.load %arg11[%get3A_63, %get3A_64] : memref<1x128xf32, #tpu.memory_space<vmem>>, vector<1x128xf32>
      %get3A_66 = arith.constant 0 : index
      %get3A_67 = arith.constant 0 : index
      %get3A_68 = vector.load %arg1[%get3A_66, %get3A_67] : memref<1000x128xf32, #tpu.memory_space<vmem>>, vector<1000x128xf32>
      %get3A_69 = arith.index_cast %multiple_of3A : i32 to index
      %get3A_70 = arith.constant 0 : index
      %get3A_71 = vector.load %arg16[%get3A_69, %get3A_70] : memref<10000x128xf32, #tpu.memory_space<vmem>>, vector<1000x128xf32>
      %sub3A_72 = vector.broadcast %div3A_47 : vector<1x128xf32> to vector<1000x128xf32>
      %sub3A_73 = arith.subf %get3A_71, %sub3A_72 : vector<1000x128xf32>
      %mul3A_74 = vector.broadcast %mul3A_62 : vector<1x128xf32> to vector<1000x128xf32>
      %mul3A_75 = arith.mulf %sub3A_73, %mul3A_74 : vector<1000x128xf32>
      %add3A_76 = vector.broadcast %get3A_65 : vector<1x128xf32> to vector<1000x128xf32>
      %add3A_77 = arith.addf %mul3A_75, %add3A_76 : vector<1000x128xf32>
      %max3A = arith.constant 0.000000e+00 : f32
      %max3A_78 = vector.broadcast %max3A : f32 to vector<1000x128xf32>
      %max3A_79 = arith.maximumf %add3A_77, %max3A_78 : vector<1000x128xf32>
      %add3A_80 = arith.addf %get3A_68, %max3A_79 : vector<1000x128xf32>
      %swap3A = arith.constant 0 : index
      %swap3A_81 = arith.constant 0 : index
      %swap3A_82 = vector.load %arg12[%swap3A, %swap3A_81] : memref<1000x128xf32, #tpu.memory_space<vmem>>, vector<1000x128xf32>
      tpu.vector_store %arg12[%swap3A, %swap3A_81], %add3A_80 {strides = array<i32>} : memref<1000x128xf32, #tpu.memory_space<vmem>>, vector<1000x128xf32>,
      %get3A_83 = arith.constant 0 : index
      %get3A_84 = arith.constant 0 : index
      %get3A_85 = arith.constant 0 : index
      %get3A_86 = vector.load %arg3[%get3A_83, %get3A_84, %get3A_85] : memref<2x1000x1xf32, #tpu.memory_space<vmem>>, vector<1x1000x1xf32>
      %get3A_87 = vector.shape_cast %get3A_86 : vector<1x1000x1xf32> to vector<1000x1xf32>
      %get3A_88 = arith.constant 1 : index
      %get3A_89 = arith.constant 0 : index
      %get3A_90 = arith.constant 0 : index
      %get3A_91 = vector.load %arg3[%get3A_88, %get3A_89, %get3A_90] : memref<2x1000x1xf32, #tpu.memory_space<vmem>>, vector<1x1000x1xf32>
      %get3A_92 = vector.shape_cast %get3A_91 : vector<1x1000x1xf32> to vector<1000x1xf32>
      %add3A_93 = arith.addf %get3A_87, %get3A_92 : vector<1000x1xf32>
      %max3A_94 = arith.constant 1.000000e+00 : f32
      %max3A_95 = vector.broadcast %max3A_94 : f32 to vector<1000x1xf32>
      %max3A_96 = arith.maximumf %add3A_93, %max3A_95 : vector<1000x1xf32>
      %div3A_97 = arith.constant 1.000000e+00 : f32
      %div3A_98 = vector.broadcast %div3A_97 : f32 to vector<1000x1xf32>
      %div3A_99 = arith.divf %div3A_98, %max3A_96 : vector<1000x1xf32>
      %swap3A_100 = arith.constant 0 : index
      %swap3A_101 = arith.constant 0 : index
      %swap3A_102 = vector.load %arg14[%swap3A_100, %swap3A_101] : memref<1000x1xf32, #tpu.memory_space<vmem>>, vector<1000x1xf32>
      tpu.vector_store %arg14[%swap3A_100, %swap3A_101], %div3A_99 {strides = array<i32>} : memref<1000x1xf32, #tpu.memory_space<vmem>>, vector<1000x1xf32>,
      %eq3A_103 = arith.constant 20 : i32
      %eq3A_104 = arith.cmpi eq, %arg0, %eq3A_103 : i32
      %convert_element_type3A_105 = arith.extui %eq3A_104 : i1 to i32
      %cond3A_106 = arith.constant 0 : i32
      %cond3A_107 = arith.cmpi ne, %convert_element_type3A_105, %cond3A_106 : i32
      scf.if %cond3A_107 {
        %broadcast_in_dim3A_116 = arith.constant 0.000000e+00 : f32
        %broadcast_in_dim3A_117 = vector.broadcast %broadcast_in_dim3A_116 : f32 to vector<1x128xf32>
        %swap3A_118 = arith.constant 0 : index
        %swap3A_119 = arith.constant 0 : index
        %swap3A_120 = vector.load %arg13[%swap3A_118, %swap3A_119] : memref<1x128xf32, #tpu.memory_space<vmem>>, vector<1x128xf32>
        tpu.vector_store %arg13[%swap3A_118, %swap3A_119], %broadcast_in_dim3A_117 {strides = array<i32>} : memref<1x128xf32, #tpu.memory_space<vmem>>, vector<1x128xf32>,
      } else {
      }
      %get3A_108 = arith.constant 0 : index
      %get3A_109 = arith.constant 0 : index
      %get3A_110 = vector.load %arg13[%get3A_108, %get3A_109] : memref<1x128xf32, #tpu.memory_space<vmem>>, vector<1x128xf32>
      %reduce_sum3A = arith.constant dense<0.000000e+00> : vector<128xf32>
      %reduce_sum3A_111 = vector.multi_reduction <add>, %add3A_80, %reduce_sum3A [0] : vector<1000x128xf32> to vector<128xf32>
      %broadcast_in_dim3A = vector.shape_cast %reduce_sum3A_111 : vector<128xf32> to vector<1x128xf32>
      %add3A_112 = arith.addf %get3A_110, %broadcast_in_dim3A : vector<1x128xf32>
      %swap3A_113 = arith.constant 0 : index
      %swap3A_114 = arith.constant 0 : index
      %swap3A_115 = vector.load %arg13[%swap3A_113, %swap3A_114] : memref<1x128xf32, #tpu.memory_space<vmem>>, vector<1x128xf32>
      tpu.vector_store %arg13[%swap3A_113, %swap3A_114], %add3A_112 {strides = array<i32>} : memref<1x128xf32, #tpu.memory_space<vmem>>, vector<1x128xf32>,
    } else {
    }
    return
  }
  func.func @transform_0(%arg0: i32) -> (i32, i32) {
    %jit3A = arith.constant 10 : i32
    %eq3A = arith.constant 0 : i32
    %eq3A_0 = arith.cmpi eq, %jit3A, %eq3A : i32
    %jit3A_1 = arith.constant 1 : i32
    %select_n3A = arith.select %eq3A_0, %jit3A_1, %jit3A : i32
    %rem3A = arith.remsi %arg0, %select_n3A : i32
    %ne3A = arith.constant 0 : i32
    %ne3A_2 = arith.cmpi ne, %rem3A, %ne3A : i32
    %lt3A = arith.constant 0 : i32
    %lt3A_3 = arith.cmpi slt, %rem3A, %lt3A : i32
    %lt3A_4 = arith.constant 0 : i32
    %lt3A_5 = arith.cmpi slt, %select_n3A, %lt3A_4 : i32
    %ne3A_6 = arith.xori %lt3A_3, %lt3A_5 : i1
    %and3A = arith.andi %ne3A_6, %ne3A_2 : i1
    %add3A = arith.addi %rem3A, %select_n3A : i32
    %select_n3A_7 = arith.select %and3A, %add3A, %rem3A : i32
    %c0_i32 = arith.constant 0 : i32
    %c0_i32_8 = arith.constant 0 : i32
    return %select_n3A_7, %c0_i32 : i32, i32
  }
  func.func @transform_1(%arg0: i32) -> (i32, i32, i32) {
    %jit3A = arith.constant 10 : i32
    %eq3A = arith.constant 0 : i32
    %eq3A_0 = arith.cmpi eq, %jit3A, %eq3A : i32
    %jit3A_1 = arith.constant 1 : i32
    %select_n3A = arith.select %eq3A_0, %jit3A_1, %jit3A : i32
    %rem3A = arith.remsi %arg0, %select_n3A : i32
    %ne3A = arith.constant 0 : i32
    %ne3A_2 = arith.cmpi ne, %rem3A, %ne3A : i32
    %lt3A = arith.constant 0 : i32
    %lt3A_3 = arith.cmpi slt, %rem3A, %lt3A : i32
    %lt3A_4 = arith.constant 0 : i32
    %lt3A_5 = arith.cmpi slt, %select_n3A, %lt3A_4 : i32
    %ne3A_6 = arith.xori %lt3A_3, %lt3A_5 : i1
    %and3A = arith.andi %ne3A_6, %ne3A_2 : i1
    %add3A = arith.addi %rem3A, %select_n3A : i32
    %select_n3A_7 = arith.select %and3A, %add3A, %rem3A : i32
    %c0_i32 = arith.constant 0 : i32
    %c0_i32_8 = arith.constant 0 : i32
    %c0_i32_9 = arith.constant 0 : i32
    return %c0_i32, %select_n3A_7, %c0_i32_8 : i32, i32, i32
  }
  func.func @transform_2(%arg0: i32) -> (i32, i32, i32) {
    %jit3A = arith.constant 10 : i32
    %eq3A = arith.constant 0 : i32
    %eq3A_0 = arith.cmpi eq, %jit3A, %eq3A : i32
    %jit3A_1 = arith.constant 1 : i32
    %select_n3A = arith.select %eq3A_0, %jit3A_1, %jit3A : i32
    %rem3A = arith.remsi %arg0, %select_n3A : i32
    %ne3A = arith.constant 0 : i32
    %ne3A_2 = arith.cmpi ne, %rem3A, %ne3A : i32
    %lt3A = arith.constant 0 : i32
    %lt3A_3 = arith.cmpi slt, %rem3A, %lt3A : i32
    %lt3A_4 = arith.constant 0 : i32
    %lt3A_5 = arith.cmpi slt, %select_n3A, %lt3A_4 : i32
    %ne3A_6 = arith.xori %lt3A_3, %lt3A_5 : i1
    %and3A = arith.andi %ne3A_6, %ne3A_2 : i1
    %add3A = arith.addi %rem3A, %select_n3A : i32
    %select_n3A_7 = arith.select %and3A, %add3A, %rem3A : i32
    %c0_i32 = arith.constant 0 : i32
    %c0_i32_8 = arith.constant 0 : i32
    %c0_i32_9 = arith.constant 0 : i32
    return %c0_i32, %select_n3A_7, %c0_i32_8 : i32, i32, i32
  }
  func.func @transform_3(%arg0: i32) -> (i32, i32) {
    %c0_i32 = arith.constant 0 : i32
    %c0_i32_0 = arith.constant 0 : i32
    %c0_i32_1 = arith.constant 0 : i32
    return %c0_i32, %c0_i32_0 : i32, i32
  }
  func.func @transform_4(%arg0: i32) -> (i32, i32) {
    %c0_i32 = arith.constant 0 : i32
    %c0_i32_0 = arith.constant 0 : i32
    %c0_i32_1 = arith.constant 0 : i32
    return %c0_i32, %c0_i32_0 : i32, i32
  }
  func.func @transform_5(%arg0: i32) -> (i32, i32) {
    %c0_i32 = arith.constant 0 : i32
    %c0_i32_0 = arith.constant 0 : i32
    %c0_i32_1 = arith.constant 0 : i32
    return %c0_i32, %c0_i32_0 : i32, i32
  }
  func.func @transform_6(%arg0: i32) -> (i32, i32) {
    %c0_i32 = arith.constant 0 : i32
    %c0_i32_0 = arith.constant 0 : i32
    %c0_i32_1 = arith.constant 0 : i32
    return %c0_i32, %c0_i32_0 : i32, i32
  }
  func.func @transform_7(%arg0: i32) -> (i32, i32) {
    %c0_i32 = arith.constant 0 : i32
    %c0_i32_0 = arith.constant 0 : i32
    %c0_i32_1 = arith.constant 0 : i32
    return %c0_i32, %c0_i32_0 : i32, i32
  }
  func.func @transform_8(%arg0: i32) -> (i32, i32) {
    %c0_i32 = arith.constant 0 : i32
    %c0_i32_0 = arith.constant 0 : i32
    %c0_i32_1 = arith.constant 0 : i32
    return %c0_i32, %c0_i32_0 : i32, i32
  }
  func.func @transform_9(%arg0: i32) -> (i32, i32) {
    %c0_i32 = arith.constant 0 : i32
    %c0_i32_0 = arith.constant 0 : i32
    %c0_i32_1 = arith.constant 0 : i32
    return %c0_i32, %c0_i32_0 : i32, i32
  }
  func.func @transform_10(%arg0: i32) -> (i32, i32) {
    %c0_i32 = arith.constant 0 : i32
    %c0_i32_0 = arith.constant 0 : i32
    %c0_i32_1 = arith.constant 0 : i32
    return %c0_i32, %c0_i32_0 : i32, i32
  }
  func.func @transform_11(%arg0: i32) -> (i32, i32) {
    %jit3A = arith.constant 10 : i32
    %eq3A = arith.constant 0 : i32
    %eq3A_0 = arith.cmpi eq, %jit3A, %eq3A : i32
    %jit3A_1 = arith.constant 1 : i32
    %select_n3A = arith.select %eq3A_0, %jit3A_1, %jit3A : i32
    %rem3A = arith.remsi %arg0, %select_n3A : i32
    %ne3A = arith.constant 0 : i32
    %ne3A_2 = arith.cmpi ne, %rem3A, %ne3A : i32
    %lt3A = arith.constant 0 : i32
    %lt3A_3 = arith.cmpi slt, %rem3A, %lt3A : i32
    %lt3A_4 = arith.constant 0 : i32
    %lt3A_5 = arith.cmpi slt, %select_n3A, %lt3A_4 : i32
    %ne3A_6 = arith.xori %lt3A_3, %lt3A_5 : i1
    %and3A = arith.andi %ne3A_6, %ne3A_2 : i1
    %add3A = arith.addi %rem3A, %select_n3A : i32
    %select_n3A_7 = arith.select %and3A, %add3A, %rem3A : i32
    %c0_i32 = arith.constant 0 : i32
    %c0_i32_8 = arith.constant 0 : i32
    return %select_n3A_7, %c0_i32 : i32, i32
  }
  func.func @transform_12(%arg0: i32) -> (i32, i32) {
    %c0_i32 = arith.constant 0 : i32
    %c0_i32_0 = arith.constant 0 : i32
    %c0_i32_1 = arith.constant 0 : i32
    return %c0_i32, %c0_i32_0 : i32, i32
  }
  func.func @transform_13(%arg0: i32) -> (i32, i32) {
    %jit3A = arith.constant 10 : i32
    %eq3A = arith.constant 0 : i32
    %eq3A_0 = arith.cmpi eq, %jit3A, %eq3A : i32
    %jit3A_1 = arith.constant 1 : i32
    %select_n3A = arith.select %eq3A_0, %jit3A_1, %jit3A : i32
    %rem3A = arith.remsi %arg0, %select_n3A : i32
    %ne3A = arith.constant 0 : i32
    %ne3A_2 = arith.cmpi ne, %rem3A, %ne3A : i32
    %lt3A = arith.constant 0 : i32
    %lt3A_3 = arith.cmpi slt, %rem3A, %lt3A : i32
    %lt3A_4 = arith.constant 0 : i32
    %lt3A_5 = arith.cmpi slt, %select_n3A, %lt3A_4 : i32
    %ne3A_6 = arith.xori %lt3A_3, %lt3A_5 : i1
    %and3A = arith.andi %ne3A_6, %ne3A_2 : i1
    %add3A = arith.addi %rem3A, %select_n3A : i32
    %select_n3A_7 = arith.select %and3A, %add3A, %rem3A : i32
    %c0_i32 = arith.constant 0 : i32
    %c0_i32_8 = arith.constant 0 : i32
    return %select_n3A_7, %c0_i32 : i32, i32
  }
}

module attributes {stable_mosaic.version = 14 : i64} {
  func.func @_layer_body(%arg0: i32, %arg1: memref<1000x128xf32, #tpu.memory_space<vmem>>, %arg2: memref<2x1000x128xf32, #tpu.memory_space<vmem>>, %arg3: memref<1000x1xf32, #tpu.memory_space<vmem>>, %arg4: memref<256x128xf32, #tpu.memory_space<vmem>>, %arg5: memref<1x128xf32, #tpu.memory_space<vmem>>, %arg6: memref<1x128xf32, #tpu.memory_space<vmem>>, %arg7: memref<1x128xf32, #tpu.memory_space<vmem>>, %arg8: memref<128x128xf32, #tpu.memory_space<vmem>>, %arg9: memref<1x128xf32, #tpu.memory_space<vmem>>, %arg10: memref<1x128xf32, #tpu.memory_space<vmem>>, %arg11: memref<1x128xf32, #tpu.memory_space<vmem>>, %arg12: memref<1000x128xf32, #tpu.memory_space<vmem>>, %arg13: memref<1x128xf32, #tpu.memory_space<vmem>>, %arg14: memref<1000x1xf32, #tpu.memory_space<vmem>>, %arg15: memref<10000x128xf32, #tpu.memory_space<vmem>>, %arg16: memref<10000x128xf32, #tpu.memory_space<vmem>>, %arg17: memref<2x128xf32, #tpu.memory_space<vmem>>, %arg18: memref<2x128xf32, #tpu.memory_space<vmem>>) attributes {dimension_semantics = [#tpu.dimension_semantics<arbitrary>], iteration_bounds = array<i64: 30>, scalar_prefetch = 0 : i64, scratch_operands = 4 : i64, tpu.core_type = #tpu.core_type<tc>, window_params = [{transform_indices = @transform_0, window_bounds = array<i64: 1000, 128>}, {transform_indices = @transform_1, window_bounds = array<i64: 2, 1000, 128>}, {transform_indices = @transform_2, window_bounds = array<i64: 1000, 1>}, {pipeline_mode = #tpu.pipeline_mode<synchronous>, transform_indices = @transform_3, window_bounds = array<i64: 256, 128>}, {pipeline_mode = #tpu.pipeline_mode<synchronous>, transform_indices = @transform_4, window_bounds = array<i64: 1, 128>}, {pipeline_mode = #tpu.pipeline_mode<synchronous>, transform_indices = @transform_5, window_bounds = array<i64: 1, 128>}, {pipeline_mode = #tpu.pipeline_mode<synchronous>, transform_indices = @transform_6, window_bounds = array<i64: 1, 128>}, {pipeline_mode = #tpu.pipeline_mode<synchronous>, transform_indices = @transform_7, window_bounds = array<i64: 128, 128>}, {pipeline_mode = #tpu.pipeline_mode<synchronous>, transform_indices = @transform_8, window_bounds = array<i64: 1, 128>}, {pipeline_mode = #tpu.pipeline_mode<synchronous>, transform_indices = @transform_9, window_bounds = array<i64: 1, 128>}, {pipeline_mode = #tpu.pipeline_mode<synchronous>, transform_indices = @transform_10, window_bounds = array<i64: 1, 128>}, {transform_indices = @transform_11, window_bounds = array<i64: 1000, 128>}, {pipeline_mode = #tpu.pipeline_mode<synchronous>, transform_indices = @transform_12, window_bounds = array<i64: 1, 128>}, {transform_indices = @transform_13, window_bounds = array<i64: 1000, 1>}]} {
    %jit3A = arith.constant 10 : i32
    %div3A = arith.divsi %arg0, %jit3A : i32
    %sign3A = arith.constant 0 : i32
    %sign3A_0 = arith.cmpi sgt, %arg0, %sign3A : i32
    %sign3A_1 = arith.extui %sign3A_0 : i1 to i32
    %sign3A_2 = arith.constant 0 : i32
    %sign3A_3 = arith.cmpi slt, %arg0, %sign3A_2 : i32
    %sign3A_4 = arith.extui %sign3A_3 : i1 to i32
    %sign3A_5 = arith.subi %sign3A_1, %sign3A_4 : i32
    %sign3A_6 = arith.constant 0 : i32
    %sign3A_7 = arith.cmpi sgt, %jit3A, %sign3A_6 : i32
    %sign3A_8 = arith.extui %sign3A_7 : i1 to i32
    %sign3A_9 = arith.constant 0 : i32
    %sign3A_10 = arith.cmpi slt, %jit3A, %sign3A_9 : i32
    %sign3A_11 = arith.extui %sign3A_10 : i1 to i32
    %sign3A_12 = arith.subi %sign3A_8, %sign3A_11 : i32
    %ne3A = arith.cmpi ne, %sign3A_5, %sign3A_12 : i32
    %rem3A = arith.remsi %arg0, %jit3A : i32
    %ne3A_13 = arith.constant 0 : i32
    %ne3A_14 = arith.cmpi ne, %rem3A, %ne3A_13 : i32
    %and3A = arith.andi %ne3A, %ne3A_14 : i1
    %sub3A = arith.constant 1 : i32
    %sub3A_15 = arith.subi %div3A, %sub3A : i32
    %select_n3A = arith.select %and3A, %sub3A_15, %div3A : i32
    %jit3A_16 = arith.constant 10 : i32
    %eq3A = arith.constant 0 : i32
    %eq3A_17 = arith.cmpi eq, %jit3A_16, %eq3A : i32
    %jit3A_18 = arith.constant 1 : i32
    %select_n3A_19 = arith.select %eq3A_17, %jit3A_18, %jit3A_16 : i32
    %rem3A_20 = arith.remsi %arg0, %select_n3A_19 : i32
    %ne3A_21 = arith.constant 0 : i32
    %ne3A_22 = arith.cmpi ne, %rem3A_20, %ne3A_21 : i32
    %lt3A = arith.constant 0 : i32
    %lt3A_23 = arith.cmpi slt, %rem3A_20, %lt3A : i32
    %lt3A_24 = arith.constant 0 : i32
    %lt3A_25 = arith.cmpi slt, %select_n3A_19, %lt3A_24 : i32
    %ne3A_26 = arith.xori %lt3A_23, %lt3A_25 : i1
    %and3A_27 = arith.andi %ne3A_26, %ne3A_22 : i1
    %add3A = arith.addi %rem3A_20, %select_n3A_19 : i32
    %select_n3A_28 = arith.select %and3A_27, %add3A, %rem3A_20 : i32
    %mul3A = arith.constant 1000 : i32
    %mul3A_29 = arith.muli %select_n3A_28, %mul3A : i32
    %multiple_of3A = tpu.assume_multiple %mul3A_29, 8 : i32
    %eq3A_30 = arith.constant 0 : i32
    %eq3A_31 = arith.cmpi eq, %select_n3A, %eq3A_30 : i32
    %convert_element_type3A = arith.extui %eq3A_31 : i1 to i32
    %cond3A = arith.constant 0 : i32
    %cond3A_32 = arith.cmpi ne, %convert_element_type3A, %cond3A : i32
    scf.if %cond3A_32 {
      %get3A = arith.constant 0 : index
      %get3A_43 = arith.constant 0 : index
      %get3A_44 = arith.constant 0 : index
      %get3A_45 = vector.load %arg2[%get3A, %get3A_43, %get3A_44] : memref<2x1000x128xf32, #tpu.memory_space<vmem>>, vector<1x1000x128xf32>
      %get3A_46 = vector.shape_cast %get3A_45 : vector<1x1000x128xf32> to vector<1000x128xf32>
      %get3A_47 = arith.constant 1 : index
      %get3A_48 = arith.constant 0 : index
      %get3A_49 = arith.constant 0 : index
      %get3A_50 = vector.load %arg2[%get3A_47, %get3A_48, %get3A_49] : memref<2x1000x128xf32, #tpu.memory_space<vmem>>, vector<1x1000x128xf32>
      %get3A_51 = vector.shape_cast %get3A_50 : vector<1x1000x128xf32> to vector<1000x128xf32>
      %add3A_52 = arith.addf %get3A_46, %get3A_51 : vector<1000x128xf32>
      %get3A_53 = arith.constant 0 : index
      %get3A_54 = arith.constant 0 : index
      %get3A_55 = vector.load %arg3[%get3A_53, %get3A_54] : memref<1000x1xf32, #tpu.memory_space<vmem>>, vector<1000x1xf32>
      %mul3A_56 = vector.broadcast %get3A_55 : vector<1000x1xf32> to vector<1000x128xf32>
      %mul3A_57 = arith.mulf %add3A_52, %mul3A_56 : vector<1000x128xf32>
      %get3A_58 = arith.constant 0 : index
      %get3A_59 = arith.constant 0 : index
      %get3A_60 = vector.load %arg4[%get3A_58, %get3A_59] : memref<256x128xf32, #tpu.memory_space<vmem>>, vector<256x128xf32>
      %get3A_61 = arith.constant 0 : index
      %get3A_62 = arith.constant 0 : index
      %get3A_63 = vector.load %arg1[%get3A_61, %get3A_62] : memref<1000x128xf32, #tpu.memory_space<vmem>>, vector<1000x128xf32>
      %slice3A = vector.extract_strided_slice %get3A_60 {offsets = [0, 0], sizes = [128, 128], strides = [1, 1]} : vector<256x128xf32> to vector<128x128xf32>
      %dot_general3A = arith.constant dense<0.000000e+00> : vector<1000x128xf32>
      %dot_general3A_64 = tpu.matmul %get3A_63, %slice3A, %dot_general3A {dimension_numbers = #tpu.dot_dimension_numbers<[1], [0], [0], [1], [0, 0, 1, 1], [], []>, precision = #tpu.contract_precision<fp32>, transpose_lhs_hint = false} : vector<1000x128xf32>, vector<128x128xf32>, vector<1000x128xf32> -> vector<1000x128xf32>
      %slice3A_65 = vector.extract_strided_slice %get3A_60 {offsets = [128, 0], sizes = [128, 128], strides = [1, 1]} : vector<256x128xf32> to vector<128x128xf32>
      %dot_general3A_66 = arith.constant dense<0.000000e+00> : vector<1000x128xf32>
      %dot_general3A_67 = tpu.matmul %mul3A_57, %slice3A_65, %dot_general3A_66 {dimension_numbers = #tpu.dot_dimension_numbers<[1], [0], [0], [1], [0, 0, 1, 1], [], []>, precision = #tpu.contract_precision<fp32>, transpose_lhs_hint = false} : vector<1000x128xf32>, vector<128x128xf32>, vector<1000x128xf32> -> vector<1000x128xf32>
      %add3A_68 = arith.addf %dot_general3A_64, %dot_general3A_67 : vector<1000x128xf32>
      %get3A_69 = arith.constant 0 : index
      %get3A_70 = arith.constant 0 : index
      %get3A_71 = vector.load %arg5[%get3A_69, %get3A_70] : memref<1x128xf32, #tpu.memory_space<vmem>>, vector<1x128xf32>
      %add3A_72 = vector.broadcast %get3A_71 : vector<1x128xf32> to vector<1000x128xf32>
      %add3A_73 = arith.addf %add3A_68, %add3A_72 : vector<1000x128xf32>
      %swap3A = arith.index_cast %multiple_of3A : i32 to index
      %swap3A_74 = arith.constant 0 : index
      %swap3A_75 = vector.load %arg15[%swap3A, %swap3A_74] : memref<10000x128xf32, #tpu.memory_space<vmem>>, vector<1000x128xf32>
      tpu.vector_store %arg15[%swap3A, %swap3A_74], %add3A_73 {strides = array<i32>} : memref<10000x128xf32, #tpu.memory_space<vmem>>, vector<1000x128xf32>,
      %eq3A_76 = arith.constant 0 : i32
      %eq3A_77 = arith.cmpi eq, %arg0, %eq3A_76 : i32
      %convert_element_type3A_78 = arith.extui %eq3A_77 : i1 to i32
      %cond3A_79 = arith.constant 0 : i32
      %cond3A_80 = arith.cmpi ne, %convert_element_type3A_78, %cond3A_79 : i32
      scf.if %cond3A_80 {
        %broadcast_in_dim3A = arith.constant 0.000000e+00 : f32
        %broadcast_in_dim3A_94 = vector.broadcast %broadcast_in_dim3A : f32 to vector<2x128xf32>
        %swap3A_95 = arith.constant 0 : index
        %swap3A_96 = arith.constant 0 : index
        %swap3A_97 = vector.load %arg17[%swap3A_95, %swap3A_96] : memref<2x128xf32, #tpu.memory_space<vmem>>, vector<2x128xf32>
        tpu.vector_store %arg17[%swap3A_95, %swap3A_96], %broadcast_in_dim3A_94 {strides = array<i32>} : memref<2x128xf32, #tpu.memory_space<vmem>>, vector<2x128xf32>,
      } else {
      }
      %get3A_81 = arith.constant 0 : index
      %get3A_82 = arith.constant 0 : index
      %get3A_83 = vector.load %arg17[%get3A_81, %get3A_82] : memref<2x128xf32, #tpu.memory_space<vmem>>, vector<2x128xf32>
      %reduce_sum3A = arith.constant dense<0.000000e+00> : vector<128xf32>
      %reduce_sum3A_84 = vector.multi_reduction <add>, %add3A_73, %reduce_sum3A [0] : vector<1000x128xf32> to vector<128xf32>
      %mul3A_85 = arith.mulf %add3A_73, %add3A_73 : vector<1000x128xf32>
      %reduce_sum3A_86 = arith.constant dense<0.000000e+00> : vector<128xf32>
      %reduce_sum3A_87 = vector.multi_reduction <add>, %mul3A_85, %reduce_sum3A_86 [0] : vector<1000x128xf32> to vector<128xf32>
      %stack3A = vector.shape_cast %reduce_sum3A_84 : vector<128xf32> to vector<1x128xf32>
      %stack3A_88 = vector.shape_cast %reduce_sum3A_87 : vector<128xf32> to vector<1x128xf32>
      %stack3A_89 = tpu.concatenate %stack3A, %stack3A_88 in 0 : vector<1x128xf32>, vector<1x128xf32> -> vector<2x128xf32>
      %add3A_90 = arith.addf %get3A_83, %stack3A_89 : vector<2x128xf32>
      %swap3A_91 = arith.constant 0 : index
      %swap3A_92 = arith.constant 0 : index
      %swap3A_93 = vector.load %arg17[%swap3A_91, %swap3A_92] : memref<2x128xf32, #tpu.memory_space<vmem>>, vector<2x128xf32>
      tpu.vector_store %arg17[%swap3A_91, %swap3A_92], %add3A_90 {strides = array<i32>} : memref<2x128xf32, #tpu.memory_space<vmem>>, vector<2x128xf32>,
    } else {
    }
    %eq3A_33 = arith.constant 1 : i32
    %eq3A_34 = arith.cmpi eq, %select_n3A, %eq3A_33 : i32
    %convert_element_type3A_35 = arith.extui %eq3A_34 : i1 to i32
    %cond3A_36 = arith.constant 0 : i32
    %cond3A_37 = arith.cmpi ne, %convert_element_type3A_35, %cond3A_36 : i32
    scf.if %cond3A_37 {
      %get3A = arith.constant 0 : index
      %get3A_43 = arith.constant 0 : index
      %get3A_44 = vector.load %arg17[%get3A, %get3A_43] : memref<2x128xf32, #tpu.memory_space<vmem>>, vector<1x128xf32>
      %div3A_45 = arith.constant 1.000000e+04 : f32
      %div3A_46 = vector.broadcast %div3A_45 : f32 to vector<1x128xf32>
      %div3A_47 = arith.divf %get3A_44, %div3A_46 : vector<1x128xf32>
      %get3A_48 = arith.constant 1 : index
      %get3A_49 = arith.constant 0 : index
      %get3A_50 = vector.load %arg17[%get3A_48, %get3A_49] : memref<2x128xf32, #tpu.memory_space<vmem>>, vector<1x128xf32>
      %div3A_51 = arith.constant 1.000000e+04 : f32
      %div3A_52 = vector.broadcast %div3A_51 : f32 to vector<1x128xf32>
      %div3A_53 = arith.divf %get3A_50, %div3A_52 : vector<1x128xf32>
      %mul3A_54 = arith.mulf %div3A_47, %div3A_47 : vector<1x128xf32>
      %sub3A_55 = arith.subf %div3A_53, %mul3A_54 : vector<1x128xf32>
      %add3A_56 = arith.constant 9.99999974E-6 : f32
      %add3A_57 = vector.broadcast %add3A_56 : f32 to vector<1x128xf32>
      %add3A_58 = arith.addf %sub3A_55, %add3A_57 : vector<1x128xf32>
      %rsqrt3A = math.rsqrt %add3A_58 : vector<1x128xf32>
      %get3A_59 = arith.constant 0 : index
      %get3A_60 = arith.constant 0 : index
      %get3A_61 = vector.load %arg6[%get3A_59, %get3A_60] : memref<1x128xf32, #tpu.memory_space<vmem>>, vector<1x128xf32>
      %mul3A_62 = arith.mulf %rsqrt3A, %get3A_61 : vector<1x128xf32>
      %get3A_63 = arith.constant 0 : index
      %get3A_64 = arith.constant 0 : index
      %get3A_65 = vector.load %arg7[%get3A_63, %get3A_64] : memref<1x128xf32, #tpu.memory_space<vmem>>, vector<1x128xf32>
      %get3A_66 = arith.index_cast %multiple_of3A : i32 to index
      %get3A_67 = arith.constant 0 : index
      %get3A_68 = vector.load %arg15[%get3A_66, %get3A_67] : memref<10000x128xf32, #tpu.memory_space<vmem>>, vector<1000x128xf32>
      %sub3A_69 = vector.broadcast %div3A_47 : vector<1x128xf32> to vector<1000x128xf32>
      %sub3A_70 = arith.subf %get3A_68, %sub3A_69 : vector<1000x128xf32>
      %mul3A_71 = vector.broadcast %mul3A_62 : vector<1x128xf32> to vector<1000x128xf32>
      %mul3A_72 = arith.mulf %sub3A_70, %mul3A_71 : vector<1000x128xf32>
      %add3A_73 = vector.broadcast %get3A_65 : vector<1x128xf32> to vector<1000x128xf32>
      %add3A_74 = arith.addf %mul3A_72, %add3A_73 : vector<1000x128xf32>
      %max3A = arith.constant 0.000000e+00 : f32
      %max3A_75 = vector.broadcast %max3A : f32 to vector<1000x128xf32>
      %max3A_76 = arith.maximumf %add3A_74, %max3A_75 : vector<1000x128xf32>
      %get3A_77 = arith.constant 0 : index
      %get3A_78 = arith.constant 0 : index
      %get3A_79 = vector.load %arg8[%get3A_77, %get3A_78] : memref<128x128xf32, #tpu.memory_space<vmem>>, vector<128x128xf32>
      %dot_general3A = arith.constant dense<0.000000e+00> : vector<1000x128xf32>
      %dot_general3A_80 = tpu.matmul %max3A_76, %get3A_79, %dot_general3A {dimension_numbers = #tpu.dot_dimension_numbers<[1], [0], [0], [1], [0, 0, 1, 1], [], []>, precision = #tpu.contract_precision<fp32>, transpose_lhs_hint = false} : vector<1000x128xf32>, vector<128x128xf32>, vector<1000x128xf32> -> vector<1000x128xf32>
      %get3A_81 = arith.constant 0 : index
      %get3A_82 = arith.constant 0 : index
      %get3A_83 = vector.load %arg9[%get3A_81, %get3A_82] : memref<1x128xf32, #tpu.memory_space<vmem>>, vector<1x128xf32>
      %add3A_84 = vector.broadcast %get3A_83 : vector<1x128xf32> to vector<1000x128xf32>
      %add3A_85 = arith.addf %dot_general3A_80, %add3A_84 : vector<1000x128xf32>
      %swap3A = arith.index_cast %multiple_of3A : i32 to index
      %swap3A_86 = arith.constant 0 : index
      %swap3A_87 = vector.load %arg16[%swap3A, %swap3A_86] : memref<10000x128xf32, #tpu.memory_space<vmem>>, vector<1000x128xf32>
      tpu.vector_store %arg16[%swap3A, %swap3A_86], %add3A_85 {strides = array<i32>} : memref<10000x128xf32, #tpu.memory_space<vmem>>, vector<1000x128xf32>,
      %eq3A_88 = arith.constant 10 : i32
      %eq3A_89 = arith.cmpi eq, %arg0, %eq3A_88 : i32
      %convert_element_type3A_90 = arith.extui %eq3A_89 : i1 to i32
      %cond3A_91 = arith.constant 0 : i32
      %cond3A_92 = arith.cmpi ne, %convert_element_type3A_90, %cond3A_91 : i32
      scf.if %cond3A_92 {
        %broadcast_in_dim3A = arith.constant 0.000000e+00 : f32
        %broadcast_in_dim3A_106 = vector.broadcast %broadcast_in_dim3A : f32 to vector<2x128xf32>
        %swap3A_107 = arith.constant 0 : index
        %swap3A_108 = arith.constant 0 : index
        %swap3A_109 = vector.load %arg18[%swap3A_107, %swap3A_108] : memref<2x128xf32, #tpu.memory_space<vmem>>, vector<2x128xf32>
        tpu.vector_store %arg18[%swap3A_107, %swap3A_108], %broadcast_in_dim3A_106 {strides = array<i32>} : memref<2x128xf32, #tpu.memory_space<vmem>>, vector<2x128xf32>,
      } else {
      }
      %get3A_93 = arith.constant 0 : index
      %get3A_94 = arith.constant 0 : index
      %get3A_95 = vector.load %arg18[%get3A_93, %get3A_94] : memref<2x128xf32, #tpu.memory_space<vmem>>, vector<2x128xf32>
      %reduce_sum3A = arith.constant dense<0.000000e+00> : vector<128xf32>
      %reduce_sum3A_96 = vector.multi_reduction <add>, %add3A_85, %reduce_sum3A [0] : vector<1000x128xf32> to vector<128xf32>
      %mul3A_97 = arith.mulf %add3A_85, %add3A_85 : vector<1000x128xf32>
      %reduce_sum3A_98 = arith.constant dense<0.000000e+00> : vector<128xf32>
      %reduce_sum3A_99 = vector.multi_reduction <add>, %mul3A_97, %reduce_sum3A_98 [0] : vector<1000x128xf32> to vector<128xf32>
      %stack3A = vector.shape_cast %reduce_sum3A_96 : vector<128xf32> to vector<1x128xf32>
      %stack3A_100 = vector.shape_cast %reduce_sum3A_99 : vector<128xf32> to vector<1x128xf32>
      %stack3A_101 = tpu.concatenate %stack3A, %stack3A_100 in 0 : vector<1x128xf32>, vector<1x128xf32> -> vector<2x128xf32>
      %add3A_102 = arith.addf %get3A_95, %stack3A_101 : vector<2x128xf32>
      %swap3A_103 = arith.constant 0 : index
      %swap3A_104 = arith.constant 0 : index
      %swap3A_105 = vector.load %arg18[%swap3A_103, %swap3A_104] : memref<2x128xf32, #tpu.memory_space<vmem>>, vector<2x128xf32>
      tpu.vector_store %arg18[%swap3A_103, %swap3A_104], %add3A_102 {strides = array<i32>} : memref<2x128xf32, #tpu.memory_space<vmem>>, vector<2x128xf32>,
    } else {
    }
    %eq3A_38 = arith.constant 2 : i32
    %eq3A_39 = arith.cmpi eq, %select_n3A, %eq3A_38 : i32
    %convert_element_type3A_40 = arith.extui %eq3A_39 : i1 to i32
    %cond3A_41 = arith.constant 0 : i32
    %cond3A_42 = arith.cmpi ne, %convert_element_type3A_40, %cond3A_41 : i32
    scf.if %cond3A_42 {
      %get3A = arith.constant 0 : index
      %get3A_43 = arith.constant 0 : index
      %get3A_44 = vector.load %arg18[%get3A, %get3A_43] : memref<2x128xf32, #tpu.memory_space<vmem>>, vector<1x128xf32>
      %div3A_45 = arith.constant 1.000000e+04 : f32
      %div3A_46 = vector.broadcast %div3A_45 : f32 to vector<1x128xf32>
      %div3A_47 = arith.divf %get3A_44, %div3A_46 : vector<1x128xf32>
      %get3A_48 = arith.constant 1 : index
      %get3A_49 = arith.constant 0 : index
      %get3A_50 = vector.load %arg18[%get3A_48, %get3A_49] : memref<2x128xf32, #tpu.memory_space<vmem>>, vector<1x128xf32>
      %div3A_51 = arith.constant 1.000000e+04 : f32
      %div3A_52 = vector.broadcast %div3A_51 : f32 to vector<1x128xf32>
      %div3A_53 = arith.divf %get3A_50, %div3A_52 : vector<1x128xf32>
      %mul3A_54 = arith.mulf %div3A_47, %div3A_47 : vector<1x128xf32>
      %sub3A_55 = arith.subf %div3A_53, %mul3A_54 : vector<1x128xf32>
      %add3A_56 = arith.constant 9.99999974E-6 : f32
      %add3A_57 = vector.broadcast %add3A_56 : f32 to vector<1x128xf32>
      %add3A_58 = arith.addf %sub3A_55, %add3A_57 : vector<1x128xf32>
      %rsqrt3A = math.rsqrt %add3A_58 : vector<1x128xf32>
      %get3A_59 = arith.constant 0 : index
      %get3A_60 = arith.constant 0 : index
      %get3A_61 = vector.load %arg10[%get3A_59, %get3A_60] : memref<1x128xf32, #tpu.memory_space<vmem>>, vector<1x128xf32>
      %mul3A_62 = arith.mulf %rsqrt3A, %get3A_61 : vector<1x128xf32>
      %get3A_63 = arith.constant 0 : index
      %get3A_64 = arith.constant 0 : index
      %get3A_65 = vector.load %arg11[%get3A_63, %get3A_64] : memref<1x128xf32, #tpu.memory_space<vmem>>, vector<1x128xf32>
      %get3A_66 = arith.constant 0 : index
      %get3A_67 = arith.constant 0 : index
      %get3A_68 = vector.load %arg1[%get3A_66, %get3A_67] : memref<1000x128xf32, #tpu.memory_space<vmem>>, vector<1000x128xf32>
      %get3A_69 = arith.index_cast %multiple_of3A : i32 to index
      %get3A_70 = arith.constant 0 : index
      %get3A_71 = vector.load %arg16[%get3A_69, %get3A_70] : memref<10000x128xf32, #tpu.memory_space<vmem>>, vector<1000x128xf32>
      %sub3A_72 = vector.broadcast %div3A_47 : vector<1x128xf32> to vector<1000x128xf32>
      %sub3A_73 = arith.subf %get3A_71, %sub3A_72 : vector<1000x128xf32>
      %mul3A_74 = vector.broadcast %mul3A_62 : vector<1x128xf32> to vector<1000x128xf32>
      %mul3A_75 = arith.mulf %sub3A_73, %mul3A_74 : vector<1000x128xf32>
      %add3A_76 = vector.broadcast %get3A_65 : vector<1x128xf32> to vector<1000x128xf32>
      %add3A_77 = arith.addf %mul3A_75, %add3A_76 : vector<1000x128xf32>
      %max3A = arith.constant 0.000000e+00 : f32
      %max3A_78 = vector.broadcast %max3A : f32 to vector<1000x128xf32>
      %max3A_79 = arith.maximumf %add3A_77, %max3A_78 : vector<1000x128xf32>
      %add3A_80 = arith.addf %get3A_68, %max3A_79 : vector<1000x128xf32>
      %swap3A = arith.constant 0 : index
      %swap3A_81 = arith.constant 0 : index
      %swap3A_82 = vector.load %arg12[%swap3A, %swap3A_81] : memref<1000x128xf32, #tpu.memory_space<vmem>>, vector<1000x128xf32>
      tpu.vector_store %arg12[%swap3A, %swap3A_81], %add3A_80 {strides = array<i32>} : memref<1000x128xf32, #tpu.memory_space<vmem>>, vector<1000x128xf32>,
      %get3A_83 = arith.constant 0 : index
      %get3A_84 = arith.constant 0 : index
      %get3A_85 = vector.load %arg3[%get3A_83, %get3A_84] : memref<1000x1xf32, #tpu.memory_space<vmem>>, vector<1000x1xf32>
      %swap3A_86 = arith.constant 0 : index
      %swap3A_87 = arith.constant 0 : index
      %swap3A_88 = vector.load %arg14[%swap3A_86, %swap3A_87] : memref<1000x1xf32, #tpu.memory_space<vmem>>, vector<1000x1xf32>
      tpu.vector_store %arg14[%swap3A_86, %swap3A_87], %get3A_85 {strides = array<i32>} : memref<1000x1xf32, #tpu.memory_space<vmem>>, vector<1000x1xf32>,
      %eq3A_89 = arith.constant 20 : i32
      %eq3A_90 = arith.cmpi eq, %arg0, %eq3A_89 : i32
      %convert_element_type3A_91 = arith.extui %eq3A_90 : i1 to i32
      %cond3A_92 = arith.constant 0 : i32
      %cond3A_93 = arith.cmpi ne, %convert_element_type3A_91, %cond3A_92 : i32
      scf.if %cond3A_93 {
        %broadcast_in_dim3A_102 = arith.constant 0.000000e+00 : f32
        %broadcast_in_dim3A_103 = vector.broadcast %broadcast_in_dim3A_102 : f32 to vector<1x128xf32>
        %swap3A_104 = arith.constant 0 : index
        %swap3A_105 = arith.constant 0 : index
        %swap3A_106 = vector.load %arg13[%swap3A_104, %swap3A_105] : memref<1x128xf32, #tpu.memory_space<vmem>>, vector<1x128xf32>
        tpu.vector_store %arg13[%swap3A_104, %swap3A_105], %broadcast_in_dim3A_103 {strides = array<i32>} : memref<1x128xf32, #tpu.memory_space<vmem>>, vector<1x128xf32>,
      } else {
      }
      %get3A_94 = arith.constant 0 : index
      %get3A_95 = arith.constant 0 : index
      %get3A_96 = vector.load %arg13[%get3A_94, %get3A_95] : memref<1x128xf32, #tpu.memory_space<vmem>>, vector<1x128xf32>
      %reduce_sum3A = arith.constant dense<0.000000e+00> : vector<128xf32>
      %reduce_sum3A_97 = vector.multi_reduction <add>, %add3A_80, %reduce_sum3A [0] : vector<1000x128xf32> to vector<128xf32>
      %broadcast_in_dim3A = vector.shape_cast %reduce_sum3A_97 : vector<128xf32> to vector<1x128xf32>
      %add3A_98 = arith.addf %get3A_96, %broadcast_in_dim3A : vector<1x128xf32>
      %swap3A_99 = arith.constant 0 : index
      %swap3A_100 = arith.constant 0 : index
      %swap3A_101 = vector.load %arg13[%swap3A_99, %swap3A_100] : memref<1x128xf32, #tpu.memory_space<vmem>>, vector<1x128xf32>
      tpu.vector_store %arg13[%swap3A_99, %swap3A_100], %add3A_98 {strides = array<i32>} : memref<1x128xf32, #tpu.memory_space<vmem>>, vector<1x128xf32>,
    } else {
    }
    return
  }
  func.func @transform_0(%arg0: i32) -> (i32, i32) {
    %jit3A = arith.constant 10 : i32
    %eq3A = arith.constant 0 : i32
    %eq3A_0 = arith.cmpi eq, %jit3A, %eq3A : i32
    %jit3A_1 = arith.constant 1 : i32
    %select_n3A = arith.select %eq3A_0, %jit3A_1, %jit3A : i32
    %rem3A = arith.remsi %arg0, %select_n3A : i32
    %ne3A = arith.constant 0 : i32
    %ne3A_2 = arith.cmpi ne, %rem3A, %ne3A : i32
    %lt3A = arith.constant 0 : i32
    %lt3A_3 = arith.cmpi slt, %rem3A, %lt3A : i32
    %lt3A_4 = arith.constant 0 : i32
    %lt3A_5 = arith.cmpi slt, %select_n3A, %lt3A_4 : i32
    %ne3A_6 = arith.xori %lt3A_3, %lt3A_5 : i1
    %and3A = arith.andi %ne3A_6, %ne3A_2 : i1
    %add3A = arith.addi %rem3A, %select_n3A : i32
    %select_n3A_7 = arith.select %and3A, %add3A, %rem3A : i32
    %c0_i32 = arith.constant 0 : i32
    %c0_i32_8 = arith.constant 0 : i32
    return %select_n3A_7, %c0_i32 : i32, i32
  }
  func.func @transform_1(%arg0: i32) -> (i32, i32, i32) {
    %jit3A = arith.constant 10 : i32
    %eq3A = arith.constant 0 : i32
    %eq3A_0 = arith.cmpi eq, %jit3A, %eq3A : i32
    %jit3A_1 = arith.constant 1 : i32
    %select_n3A = arith.select %eq3A_0, %jit3A_1, %jit3A : i32
    %rem3A = arith.remsi %arg0, %select_n3A : i32
    %ne3A = arith.constant 0 : i32
    %ne3A_2 = arith.cmpi ne, %rem3A, %ne3A : i32
    %lt3A = arith.constant 0 : i32
    %lt3A_3 = arith.cmpi slt, %rem3A, %lt3A : i32
    %lt3A_4 = arith.constant 0 : i32
    %lt3A_5 = arith.cmpi slt, %select_n3A, %lt3A_4 : i32
    %ne3A_6 = arith.xori %lt3A_3, %lt3A_5 : i1
    %and3A = arith.andi %ne3A_6, %ne3A_2 : i1
    %add3A = arith.addi %rem3A, %select_n3A : i32
    %select_n3A_7 = arith.select %and3A, %add3A, %rem3A : i32
    %c0_i32 = arith.constant 0 : i32
    %c0_i32_8 = arith.constant 0 : i32
    %c0_i32_9 = arith.constant 0 : i32
    return %c0_i32, %select_n3A_7, %c0_i32_8 : i32, i32, i32
  }
  func.func @transform_2(%arg0: i32) -> (i32, i32) {
    %jit3A = arith.constant 10 : i32
    %eq3A = arith.constant 0 : i32
    %eq3A_0 = arith.cmpi eq, %jit3A, %eq3A : i32
    %jit3A_1 = arith.constant 1 : i32
    %select_n3A = arith.select %eq3A_0, %jit3A_1, %jit3A : i32
    %rem3A = arith.remsi %arg0, %select_n3A : i32
    %ne3A = arith.constant 0 : i32
    %ne3A_2 = arith.cmpi ne, %rem3A, %ne3A : i32
    %lt3A = arith.constant 0 : i32
    %lt3A_3 = arith.cmpi slt, %rem3A, %lt3A : i32
    %lt3A_4 = arith.constant 0 : i32
    %lt3A_5 = arith.cmpi slt, %select_n3A, %lt3A_4 : i32
    %ne3A_6 = arith.xori %lt3A_3, %lt3A_5 : i1
    %and3A = arith.andi %ne3A_6, %ne3A_2 : i1
    %add3A = arith.addi %rem3A, %select_n3A : i32
    %select_n3A_7 = arith.select %and3A, %add3A, %rem3A : i32
    %c0_i32 = arith.constant 0 : i32
    %c0_i32_8 = arith.constant 0 : i32
    return %select_n3A_7, %c0_i32 : i32, i32
  }
  func.func @transform_3(%arg0: i32) -> (i32, i32) {
    %c0_i32 = arith.constant 0 : i32
    %c0_i32_0 = arith.constant 0 : i32
    %c0_i32_1 = arith.constant 0 : i32
    return %c0_i32, %c0_i32_0 : i32, i32
  }
  func.func @transform_4(%arg0: i32) -> (i32, i32) {
    %c0_i32 = arith.constant 0 : i32
    %c0_i32_0 = arith.constant 0 : i32
    %c0_i32_1 = arith.constant 0 : i32
    return %c0_i32, %c0_i32_0 : i32, i32
  }
  func.func @transform_5(%arg0: i32) -> (i32, i32) {
    %c0_i32 = arith.constant 0 : i32
    %c0_i32_0 = arith.constant 0 : i32
    %c0_i32_1 = arith.constant 0 : i32
    return %c0_i32, %c0_i32_0 : i32, i32
  }
  func.func @transform_6(%arg0: i32) -> (i32, i32) {
    %c0_i32 = arith.constant 0 : i32
    %c0_i32_0 = arith.constant 0 : i32
    %c0_i32_1 = arith.constant 0 : i32
    return %c0_i32, %c0_i32_0 : i32, i32
  }
  func.func @transform_7(%arg0: i32) -> (i32, i32) {
    %c0_i32 = arith.constant 0 : i32
    %c0_i32_0 = arith.constant 0 : i32
    %c0_i32_1 = arith.constant 0 : i32
    return %c0_i32, %c0_i32_0 : i32, i32
  }
  func.func @transform_8(%arg0: i32) -> (i32, i32) {
    %c0_i32 = arith.constant 0 : i32
    %c0_i32_0 = arith.constant 0 : i32
    %c0_i32_1 = arith.constant 0 : i32
    return %c0_i32, %c0_i32_0 : i32, i32
  }
  func.func @transform_9(%arg0: i32) -> (i32, i32) {
    %c0_i32 = arith.constant 0 : i32
    %c0_i32_0 = arith.constant 0 : i32
    %c0_i32_1 = arith.constant 0 : i32
    return %c0_i32, %c0_i32_0 : i32, i32
  }
  func.func @transform_10(%arg0: i32) -> (i32, i32) {
    %c0_i32 = arith.constant 0 : i32
    %c0_i32_0 = arith.constant 0 : i32
    %c0_i32_1 = arith.constant 0 : i32
    return %c0_i32, %c0_i32_0 : i32, i32
  }
  func.func @transform_11(%arg0: i32) -> (i32, i32) {
    %jit3A = arith.constant 10 : i32
    %eq3A = arith.constant 0 : i32
    %eq3A_0 = arith.cmpi eq, %jit3A, %eq3A : i32
    %jit3A_1 = arith.constant 1 : i32
    %select_n3A = arith.select %eq3A_0, %jit3A_1, %jit3A : i32
    %rem3A = arith.remsi %arg0, %select_n3A : i32
    %ne3A = arith.constant 0 : i32
    %ne3A_2 = arith.cmpi ne, %rem3A, %ne3A : i32
    %lt3A = arith.constant 0 : i32
    %lt3A_3 = arith.cmpi slt, %rem3A, %lt3A : i32
    %lt3A_4 = arith.constant 0 : i32
    %lt3A_5 = arith.cmpi slt, %select_n3A, %lt3A_4 : i32
    %ne3A_6 = arith.xori %lt3A_3, %lt3A_5 : i1
    %and3A = arith.andi %ne3A_6, %ne3A_2 : i1
    %add3A = arith.addi %rem3A, %select_n3A : i32
    %select_n3A_7 = arith.select %and3A, %add3A, %rem3A : i32
    %c0_i32 = arith.constant 0 : i32
    %c0_i32_8 = arith.constant 0 : i32
    return %select_n3A_7, %c0_i32 : i32, i32
  }
  func.func @transform_12(%arg0: i32) -> (i32, i32) {
    %c0_i32 = arith.constant 0 : i32
    %c0_i32_0 = arith.constant 0 : i32
    %c0_i32_1 = arith.constant 0 : i32
    return %c0_i32, %c0_i32_0 : i32, i32
  }
  func.func @transform_13(%arg0: i32) -> (i32, i32) {
    %jit3A = arith.constant 10 : i32
    %eq3A = arith.constant 0 : i32
    %eq3A_0 = arith.cmpi eq, %jit3A, %eq3A : i32
    %jit3A_1 = arith.constant 1 : i32
    %select_n3A = arith.select %eq3A_0, %jit3A_1, %jit3A : i32
    %rem3A = arith.remsi %arg0, %select_n3A : i32
    %ne3A = arith.constant 0 : i32
    %ne3A_2 = arith.cmpi ne, %rem3A, %ne3A : i32
    %lt3A = arith.constant 0 : i32
    %lt3A_3 = arith.cmpi slt, %rem3A, %lt3A : i32
    %lt3A_4 = arith.constant 0 : i32
    %lt3A_5 = arith.cmpi slt, %select_n3A, %lt3A_4 : i32
    %ne3A_6 = arith.xori %lt3A_3, %lt3A_5 : i1
    %and3A = arith.andi %ne3A_6, %ne3A_2 : i1
    %add3A = arith.addi %rem3A, %select_n3A : i32
    %select_n3A_7 = arith.select %and3A, %add3A, %rem3A : i32
    %c0_i32 = arith.constant 0 : i32
    %c0_i32_8 = arith.constant 0 : i32
    return %select_n3A_7, %c0_i32 : i32, i32
  }
}

module attributes {stable_mosaic.version = 14 : i64} {
  func.func @_readout_body(%arg0: memref<1x128xf32, #tpu.memory_space<vmem>>, %arg1: memref<128x64xf32, #tpu.memory_space<vmem>>, %arg2: memref<1x64xf32, #tpu.memory_space<vmem>>, %arg3: memref<64x32xf32, #tpu.memory_space<vmem>>, %arg4: memref<1x32xf32, #tpu.memory_space<vmem>>, %arg5: memref<32x10xf32, #tpu.memory_space<vmem>>, %arg6: memref<1x10xf32, #tpu.memory_space<vmem>>, %arg7: memref<1x10xf32, #tpu.memory_space<vmem>>) attributes {dimension_semantics = [], scalar_prefetch = 0 : i64, scratch_operands = 0 : i64, tpu.core_type = #tpu.core_type<tc>} {
    %get3A = arith.constant 0 : index
    %get3A_0 = arith.constant 0 : index
    %get3A_1 = vector.load %arg0[%get3A, %get3A_0] : memref<1x128xf32, #tpu.memory_space<vmem>>, vector<1x128xf32>
    %div3A = arith.constant 1.000000e+04 : f32
    %div3A_2 = vector.broadcast %div3A : f32 to vector<1x128xf32>
    %div3A_3 = arith.divf %get3A_1, %div3A_2 : vector<1x128xf32>
    %get3A_4 = arith.constant 0 : index
    %get3A_5 = arith.constant 0 : index
    %get3A_6 = vector.load %arg1[%get3A_4, %get3A_5] : memref<128x64xf32, #tpu.memory_space<vmem>>, vector<128x64xf32>
    %dot_general3A = arith.constant dense<0.000000e+00> : vector<1x64xf32>
    %dot_general3A_7 = tpu.matmul %div3A_3, %get3A_6, %dot_general3A {dimension_numbers = #tpu.dot_dimension_numbers<[1], [0], [0], [1], [0, 0, 1, 1], [], []>, precision = #tpu.contract_precision<fp32>, transpose_lhs_hint = false} : vector<1x128xf32>, vector<128x64xf32>, vector<1x64xf32> -> vector<1x64xf32>
    %get3A_8 = arith.constant 0 : index
    %get3A_9 = arith.constant 0 : index
    %get3A_10 = vector.load %arg2[%get3A_8, %get3A_9] : memref<1x64xf32, #tpu.memory_space<vmem>>, vector<1x64xf32>
    %add3A = arith.addf %dot_general3A_7, %get3A_10 : vector<1x64xf32>
    %max3A = arith.constant 0.000000e+00 : f32
    %max3A_11 = vector.broadcast %max3A : f32 to vector<1x64xf32>
    %max3A_12 = arith.maximumf %add3A, %max3A_11 : vector<1x64xf32>
    %get3A_13 = arith.constant 0 : index
    %get3A_14 = arith.constant 0 : index
    %get3A_15 = vector.load %arg3[%get3A_13, %get3A_14] : memref<64x32xf32, #tpu.memory_space<vmem>>, vector<64x32xf32>
    %dot_general3A_16 = arith.constant dense<0.000000e+00> : vector<1x32xf32>
    %dot_general3A_17 = tpu.matmul %max3A_12, %get3A_15, %dot_general3A_16 {dimension_numbers = #tpu.dot_dimension_numbers<[1], [0], [0], [1], [0, 0, 1, 1], [], []>, precision = #tpu.contract_precision<fp32>, transpose_lhs_hint = false} : vector<1x64xf32>, vector<64x32xf32>, vector<1x32xf32> -> vector<1x32xf32>
    %get3A_18 = arith.constant 0 : index
    %get3A_19 = arith.constant 0 : index
    %get3A_20 = vector.load %arg4[%get3A_18, %get3A_19] : memref<1x32xf32, #tpu.memory_space<vmem>>, vector<1x32xf32>
    %add3A_21 = arith.addf %dot_general3A_17, %get3A_20 : vector<1x32xf32>
    %max3A_22 = arith.constant 0.000000e+00 : f32
    %max3A_23 = vector.broadcast %max3A_22 : f32 to vector<1x32xf32>
    %max3A_24 = arith.maximumf %add3A_21, %max3A_23 : vector<1x32xf32>
    %get3A_25 = arith.constant 0 : index
    %get3A_26 = arith.constant 0 : index
    %get3A_27 = vector.load %arg5[%get3A_25, %get3A_26] : memref<32x10xf32, #tpu.memory_space<vmem>>, vector<32x10xf32>
    %dot_general3A_28 = arith.constant dense<0.000000e+00> : vector<1x10xf32>
    %dot_general3A_29 = tpu.matmul %max3A_24, %get3A_27, %dot_general3A_28 {dimension_numbers = #tpu.dot_dimension_numbers<[1], [0], [0], [1], [0, 0, 1, 1], [], []>, precision = #tpu.contract_precision<fp32>, transpose_lhs_hint = false} : vector<1x32xf32>, vector<32x10xf32>, vector<1x10xf32> -> vector<1x10xf32>
    %get3A_30 = arith.constant 0 : index
    %get3A_31 = arith.constant 0 : index
    %get3A_32 = vector.load %arg6[%get3A_30, %get3A_31] : memref<1x10xf32, #tpu.memory_space<vmem>>, vector<1x10xf32>
    %add3A_33 = arith.addf %dot_general3A_29, %get3A_32 : vector<1x10xf32>
    %swap3A = arith.constant 0 : index
    %swap3A_34 = arith.constant 0 : index
    %swap3A_35 = vector.load %arg7[%swap3A, %swap3A_34] : memref<1x10xf32, #tpu.memory_space<vmem>>, vector<1x10xf32>
    tpu.vector_store %arg7[%swap3A, %swap3A_34], %add3A_33 {strides = array<i32>} : memref<1x10xf32, #tpu.memory_space<vmem>>, vector<1x10xf32>,
    return
  }
}

</mosaic_0001>

<sc_bundles>
// kernel: kernel.12.cloned.1.call-start
scs
__scs_entry_jumppad:
0x0: {  	(pc) =	sbr.rel $0x88, $3  }
0x1: {  	(tag) =	ssettag $0x0;
	lr =	simm.s32 $0x1  }
0x2: {  	[smem:$0x3F87] =	sst lr;
	_ =	strace $0xD0000000  }
0x3: {  	_ = 	snop  }
0x4: {  	_ = 	snop  }
0x5: {  	_ = 	snop  }
0x6: {  	_ = 	snop  }
0x7: {  	_ = 	snop  }
__scs_overlays_trampoline_lowered:
0x8: {  	[smem:$0x3F96] =	sst s0  }
0x9: {  	[smem:$0x3F97] =	sst s1  }
0xa: {  	[smem:$0x3F98] =	sst s2  }
0xb: {  	[smem:$0x3F99] =	sst s3  }
0xc: {  	[smem:$0x3F9A] =	sst s4  }
0xd: {  	[smem:$0x3F9B] =	sst s5  }
0xe: {  	[smem:$0x3F9C] =	sst s6  }
0xf: {  	[smem:$0x3F9D] =	sst s7  }
0x10: {  	[smem:$0x3F9E] =	sst s8  }
0x11: {  	[smem:$0x3F9F] =	sst s9;
	s0 =	simm.s32 @!p0 $0x0  }
0x12: {  	s1 =	sld [smem:$0x3F85];
	s0 =	simm.s32 @p0 $0x1  }
0x13: {  	[smem:$0x3FA0] =	sst s0;
	s0 =	simm.s32 @!p1 $0x0  }
0x14: {  	s2 =	sld [smem:$0x3F84];
	s0 =	simm.s32 @p1 $0x1  }
0x15: {  	[smem:$0x3FA1] =	sst s0;
	s0 =	simm.s32 @!p2 $0x0  }
0x16: {  	s3 =	sld [smem:$0x3FDB];
	s0 =	simm.s32 @p2 $0x1  }
0x17: {  	s4 =	simm.s32 $0x1BF5;
	[smem:$0x3FA3] =	sst s0  }
0x18: {  	s0 =	sld [smem:$0x3F86];
	_ =	swait.ge [sflag:s4], $0x0  }
0x19: {  	s7 =	sld [smem:$0x3F87]  }
0x1a: {  	s8 =	sadd.s32 $0xFFFFE003, lr  }
0x1b: {  	s9 =	sadd.s32 $0xFFFFFEF7, lr;
	s5 =	simm.s32 $0xFFFFFFFF;
	p2 =	slt.u32 s8, $0xFFFFF086  }
0x1c: {  	p1 =	slt.u32 s9, $0xF7A;
	s5 =	simm.s32 @!p2 $0x0  }
0x1d: {  	s5 =	simm.s32 @p1 $0x1;
	p0 =	seq.s32 s7, s2  }
0x1e: {  	s7 =	smul.u32 @!p0 $0xF7A, s2;
	p2 =	seq.s32 @!p0 s5, $0x0  }
0x1f: {  	s9 =	smul.u32 $0xF7A, s1;
	s8 =	simm.s32 @!p0 $0x1BF5;
	p2 =	por !p2, p0  }
0x20: {  	[sflag:s8] =	ssyncset.s32 @!p0 $0xFFFFF086;
	s6 =	sadd.s32 @!p0 s3, s7;
	s7 =	simm.s32 @!p0 $0x108  }
0x21: {  	s3 =	sadd.s32 s3, s9;
	s6 =	sadd.s32 @!p0 $0x88, s6;
	s7 =	simm.s32 @p2 $0x1082  }
0x22: {  	[simem:s7], [sflag:s8] =	dma.local @!p0 [hbm:s6], $0xF7A  }
0x23: {  	s9 =	sor.u32 $0xD0000000, s2;
	s6 =	simm.s32 $0x108;
	_ =	swait.ge @!p0 [sflag:s8], $0x0  }
0x24: {  	s3 =	sadd.s32 $0x88, s3;
	s6 =	simm.s32 @!p1 $0x1082;
	[sflag:s4] =	ssyncset.s32 $0xFFFFF086  }
0x25: {  	[simem:s6], [sflag:s4] =	dma.local [hbm:s3], $0xF7A  }
0x26: {  	[smem:$0x3F87] =	sst s1;
	(tag) =	ssettag s2;
	_ =	strace s9  }
0x27: {  	s1 =	sld [smem:$0x3F97]  }
0x28: {  	s2 =	sld [smem:$0x3F98]  }
0x29: {  	s4 =	sld [smem:$0x3F9A]  }
0x2a: {  	p0 =	seq.s32 s5, $0x0;
	s5 =	sld [smem:$0x3F9B]  }
0x2b: {  	s6 =	sld [smem:$0x3F9C]  }
0x2c: {  	s7 =	sld [smem:$0x3F9D]  }
0x2d: {  	s3 =	simm.s32 $0x108;
	s8 =	sld [smem:$0x3F9E]  }
0x2e: {  	s3 =	simm.s32 @!p0 $0x1082;
	s9 =	sld [smem:$0x3F9F]  }
0x2f: {  	lr =	sadd.s32 s0, s3;
	s0 =	sld [smem:$0x3F96]  }
0x30: {  	s3 =	sld [smem:$0x3F99]  }
0x31: {  	[smem:$0x3FA2] =	sst s10  }
0x32: {  	s10 =	sld [smem:$0x3FA0];
	_ =	sdelay $0x3  }
0x33: {  	p0 =	seq.s32 s10, $0x1;
	s10 =	sld [smem:$0x3FA2];
	_ =	sdelay $0x3  }
0x34: {  	[smem:$0x3FA2] =	sst s10  }
0x35: {  	s10 =	sld [smem:$0x3FA1];
	_ =	sdelay $0x3  }
0x36: {  	p1 =	seq.s32 s10, $0x1;
	s10 =	sld [smem:$0x3FA2];
	_ =	sdelay $0x3  }
0x37: {  	[smem:$0x3FA2] =	sst s10  }
0x38: {  	s10 =	sld [smem:$0x3FA3]  }
0x39: {  	_ = 	snop;
	(pc) =	sbr.ind lr, $3  }
0x3a: {  	_ = 	snop  }
0x3b: {  	_ = 	snop  }
0x3c: {  	p2 =	seq.s32 s10, $0x1;
	s10 =	sld [smem:$0x3FA2]  }
0x3d: {  	_ =	shalt  }
0x3e: {  	_ =	shalt  }
0x3f: {  	_ =	shalt  }
0x40: {  	_ =	shalt  }
0x41: {  	_ =	shalt  }
0x42: {  	_ =	shalt  }
0x43: {  	_ =	shalt  }
0x44: {  	_ =	shalt  }
0x45: {  	_ =	shalt  }
0x46: {  	_ =	shalt  }
0x47: {  	_ =	shalt  }
0x48: {  	_ =	shalt  }
0x49: {  	_ =	shalt  }
0x4a: {  	_ =	shalt  }
0x4b: {  	_ =	shalt  }
0x4c: {  	_ =	shalt  }
0x4d: {  	_ =	shalt  }
0x4e: {  	_ =	shalt  }
0x4f: {  	_ =	shalt  }
0x50: {  	_ =	shalt  }
0x51: {  	_ =	shalt  }
0x52: {  	_ =	shalt  }
0x53: {  	_ =	shalt  }
0x54: {  	_ =	shalt  }
0x55: {  	_ =	shalt  }
0x56: {  	_ =	shalt  }
0x57: {  	_ =	shalt  }
0x58: {  	_ =	shalt  }
0x59: {  	_ =	shalt  }
0x5a: {  	_ =	shalt  }
0x5b: {  	_ =	shalt  }
0x5c: {  	_ =	shalt  }
0x5d: {  	_ =	shalt  }
0x5e: {  	_ =	shalt  }
0x5f: {  	_ =	shalt  }
0x60: {  	_ =	shalt  }
0x61: {  	_ =	shalt  }
0x62: {  	_ =	shalt  }
0x63: {  	_ =	shalt  }
0x64: {  	_ =	shalt  }
0x65: {  	_ =	shalt  }
0x66: {  	_ =	shalt  }
0x67: {  	_ =	shalt  }
0x68: {  	_ =	shalt  }
0x69: {  	_ =	shalt  }
0x6a: {  	_ =	shalt  }
0x6b: {  	_ =	shalt  }
0x6c: {  	_ =	shalt  }
0x6d: {  	_ =	shalt  }
0x6e: {  	_ =	shalt  }
0x6f: {  	_ =	shalt  }
0x70: {  	_ =	shalt  }
0x71: {  	_ =	shalt  }
0x72: {  	_ =	shalt  }
0x73: {  	_ =	shalt  }
0x74: {  	_ =	shalt  }
0x75: {  	_ =	shalt  }
0x76: {  	_ =	shalt  }
0x77: {  	_ =	shalt  }
0x78: {  	_ =	shalt  }
0x79: {  	_ =	shalt  }
0x7a: {  	_ =	shalt  }
0x7b: {  	_ =	shalt  }
0x7c: {  	_ =	shalt  }
0x7d: {  	_ =	shalt  }
0x7e: {  	_ =	shalt  }
0x7f: {  	_ =	shalt  }
0x80: {  	_ =	shalt  }
0x81: {  	_ =	shalt  }
0x82: {  	_ =	shalt  }
0x83: {  	_ =	shalt  }
0x84: {  	_ =	shalt  }
0x85: {  	_ =	shalt  }
0x86: {  	_ =	shalt  }
0x87: {  	_ =	shalt  }
.Lfunc_end0:
.L_simem_size_0:
called_computation.1_lowered:
.L_overlay_start_0:
0x88: {  	s2 =	sld [smem:$0x3FD9]  }
0x89: {  	s3 =	sld [smem:$0x3FFE];
	_ =	sdelay $0x1  }
0x8a: {  	s1 =	srdreg.scid  }
0x8b: {  	s0 =	sand.u32 $0x1, s1  }
0x8c: {  	s17 =	sshll.u32 s0, $0xA;
	s2 =	sadd.s32 s3, s2  }
0x8d: {  	s2 =	sadd.s32 s2, s17  }
0x8e: {  	[smem:$0x3FAE] =	sst s2  }
0x8f: {  	_ = 	snop  }
0x90: {  	(tm) =	ssettm $0x1  }
0x91: {  	s18 =	sld [smem:$0x3FFB];
	_ =	sdelay $0x3  }
0x92: {  	_ =	strace s18  }
0x93: {  	s2 =	sld [smem:$0x3FFC];
	_ =	sdelay $0x3  }
0x94: {  	_ =	strace s2  }
0x95: {  	s2 =	sld [smem:$0x3FFD];
	_ =	sdelay $0x3  }
0x96: {  	_ =	strace s2  }
0x97: {  	_ =	strace $0x8FFFFFFF  }
0x98: {  	s19 =	sld [smem:$0x3FDB];
	_ =	sdelay $0x1  }
0x99: {  	s20 =	simm.s32 $_scs_section_size  }
0x9a: {  	s4 =	simm.s32 $_size__tile_overlayer_lowered;
	s5 =	simm.s32 $_tile_overlayer_lowered  }
0x9b: {  	s6 =	simm.s32 $0x1BFF;
	s21 =	sshll.u32 s5, $0x1;
	s3 =	sadd.s32 s20, s19  }
0x9c: {  	s22 =	simm.s32 $0x0;
	s4 =	sshll.u32 s4, $0x1;
	s5 =	sadd.s32 s21, s3  }
0x9d: {  	[timem:s22], [sflag:s6] =	dma.local [hbm:s5], s4  }
0x9e: {  	_ =	swait.ge [sflag:s6], s4  }
0x9f: {  	s4 =	ssub.s32 $0x0, s4;
	[sflag:s6] =	ssyncset.done $0x0  }
0xa0: {  	[sflag:s6] =	ssyncadd.s32 s4;
	_ =	sdelay $0x1  }
0xa1: {  	s23 =	simm.s32 $0x1B8B  }
0xa2: {  	_ =	swait.ge [sflag:s23], $0x1  }
0xa3: {  	[sflag:s23] =	ssyncset.done $0x0  }
0xa4: {  	[sflag:s23] =	ssyncadd.s32 $0xFFFFFFFF  }
0xa5: {  	s4 =	sld [smem:$0x0]  }
0xa6: {  	s5 =	sand.u32 $0xFFFFFFFE, s1  }
0xa7: {  	p0 =	sne.s32 s1, s5  }
0xa8: {  	s5 =	sshll.u32 @p0 s5, $0xE  }
0xa9: {  	s5 =	sadd.s32 @p0 $0x11B8D, s5;
	s6 =	sshll.u32 @p0 s4, $0x11  }
0xaa: {  	s5 =	sor.u32 @p0 s6, s5  }
0xab: {  	[sflag:s5] =	ssyncadd.remote.s32 @p0 $0x1;
	_ =	sdelay $0x1  }
0xac: {  	s5 =	simm.s32 @p0 $0x1B8D  }
0xad: {  	_ =	swait.eq @p0 [sflag:s5], $0x1  }
0xae: {  	[sflag:s5] =	ssyncadd.s32 @p0 $0xFFFFFFFF  }
0xaf: {  	s6 =	sshll.u32 @!p0 s1, $0xE  }
0xb0: {  	s6 =	sor.u32 @!p0 $0x4000, s6;
	s5 =	simm.s32 @!p0 $0x1B8D  }
0xb1: {  	s4 =	sshll.u32 @!p0 s4, $0x11;
	s6 =	sadd.s32 @!p0 $0x11B8D, s6;
	_ =	swait.eq @!p0 [sflag:s5], $0x1  }
0xb2: {  	s4 =	sor.u32 @!p0 s4, s6;
	[sflag:s5] =	ssyncadd.s32 @!p0 $0xFFFFFFFF  }
0xb3: {  	s25 =	simm.s32 $0x1B8E;
	s24 =	sld [smem:$0x3FFE];
	[sflag:s4] =	ssyncadd.remote.s32 @!p0 $0x1  }
0xb4: {  	s26 =	simm.s32 $execute0_lowered;
	[smem:$0x3FD2] =	sst s25  }
0xb5: {  	s5 =	sshll.u32 s26, $0x1;
	_ =	strace $0x80000049;
	[dreg:$0x1] =	wrdreg $0xFFFFFFFF  }
0xb6: {  	s28 =	simm.s32 $_size_execute0_lowered;
	s3 =	sadd.s32 s3, s5;
	[dreg:$0x0] =	wrdreg $0x0  }
0xb7: {  	s5 =	sshll.u32 s28, $0x1;
	[dreg:$0x2] =	wrdreg s3  }
0xb8: {  	[dreg:$0x3] =	wrdreg s5  }
0xb9: {  	[dreg:$0x4] =	wrdreg $0xC0  }
0xba: {  	_ =	task [dreg:s22], $0x5FFFF  }
0xbb: {  	[dreg:$0x1] =	wrdreg $0xFFFFFFFF  }
0xbc: {  	[dreg:$0x0] =	wrdreg $0x60  }
0xbd: {  	[dreg:$0x2] =	wrdreg s24  }
0xbe: {  	[dreg:$0x3] =	wrdreg $0xB7800  }
0xbf: {  	[dreg:$0x4] =	wrdreg $0xA  }
0xc0: {  	_ =	task.clear_ibuf [dreg:s22], $0x5FFFF;
	_ =	strace $0x90000049  }
0xc1: {  	s29 =	simm.s32 $0xA;
	_ =	strace $0x8000004B  }
0xc2: {  	_ =	swait.ge [sflag:s29], $0x1  }
0xc3: {  	[sflag:s29] =	ssyncadd.s32 $0xFFFFFFFF  }
0xc4: {  	_ =	strace $0x9000004B  }
0xc5: {  	_ =	sfence  }
0xc6: {  	s30 =	sld [smem:$0x0];
	_ =	sdelay $0x2  }
0xc7: {  	s31 =	sshll.u32 s1, $0xD;
	s1 =	sshrl.u32 s1, $0x2  }
0xc8: {  	s4 =	sand.u32 $0x4000, s31;
	s1 =	sadd.s32 s1, s30  }
0xc9: {  	s0 =	sor.u32 s4, s0;
	s1 =	sshll.u32 s1, $0x11  }
0xca: {  	s0 =	sor.u32 s1, s0  }
0xcb: {  	s0 =	sadd.s32 $0x8F2B, s0  }
0xcc: {  	[sflag:s0] =	ssyncadd.remote.s32 $0x1  }
0xcd: {  	_ =	sfence.sel $0xFFFF  }
0xce: {  	[dreg:$0x0] =	wrdreg $0xFFFFFFFF;
	(pc) =	sbr.abs _section_cstart, $3  }
0xcf: {  	[dreg:$0x1] =	wrdreg $0xFFFFFFFF  }
0xd0: {  	_ =	task.clear_ibuf [dreg:s22], $0x2FFFF;
	_ =	strace $0x9FFFFFFF  }
0xd1: {  	(tm) =	ssettm $0x7FFFFFFF  }
tec
execute0_lowered:
.L_overlay_start_1:
0x0: {  	(tag) =	ssettag $0x1  }
0x1: {  	s5 =	rddreg [dreg:$0x0]  }
0x2: {  	s1 =	srdreg.scid;
	s0 =	stileid.u32  }
0x3: {  	s2 =	rddreg [dreg:$0x1];
	s15 =	simm.s32 $0x6780;
	s16 =	simm.s32 $0x50  }
0x4: {  	s17 =	simm.s32 $0x4;
	s18 =	simm.s32 $0x3;
	s19 =	simm.s32 $0x0  }
0x5: {  	s6 =	sand.u32 $0x1, s1;
	s3 =	sshll.u32 s0, $0x1;
	s29 =	smul.u32 $0x14000, s0  }
0x6: {  	s1 =	rddreg [dreg:$0x2];
	s7 =	sshrl.u32 s0, $0x2;
	s12 =	smul.u32 $0x50000, s0  }
0x7: {  	s13 =	sshll.u32 s0, $0x6;
	s4 =	sor.u32 s6, s3;
	s7 =	smul.u32 $0x13C00, s7  }
0x8: {  	s3 =	simm.s32 $0x0;
	s10 =	smul.u32 $0x140000, s6;
	s6 =	ssub.s32 $0x2, s6  }
0x9: {  	s13 =	sor.u32 $0x1C05, s13;
	s8 =	sshll.u32 s4, $0x7;
	[smem:$0x7FF] =	sst s3  }
0xa: {  	s9 =	sshll.u32 s4, $0xB;
	s4 =	sadd.s32 $0x2A000, s5;
	s11 =	sshrl.u32 s29, $0x3  }
0xb: {  	s30 =	sshrl.u32 s6, $0x1;
	s31 =	sshrl.u32 s12, $0x2;
	s12 =	simm.s32 $0x5  }
0xc: {  	s8 =	sand.u32 $0x380, s8;
	_ =	strace $0x8000004A;
	s9 =	sadd.s32 s9, s5  }
0xd: {  	s11 =	sadd.s32 s11, s5;
	s14 =	sadd.s32 s31, s2;
	s7 =	sor.u32 s7, s8  }
.Ltmp0:
0xe: {  	s8 =	sadd.s32 s29, s10;
	s10 =	ssub.s32 s6, s30;
	(pc) =	sbr.rel .LBB2_1-.Ltmp0, $4  }
0xf: {  	s6 =	sadd.s32 $0x10200, s9;
	s14 =	sshrl.u32 s14, $0x3;
	s7 =	sshrl.u32 s7, $0x3  }
0x10: {  	s8 =	sshrl.u32 s8, $0x3;
	s9 =	smax.u32 s10, $0x1;
	s7 =	sadd.s32 s7, s5  }
0x11: {  	s10 =	simm.s32 $0x80;
	s8 =	sadd.s32 s8, s5;
	s5 =	sadd.s32 $0x20200, s7  }
0x12: {  	s7 =	sadd.s32 $0x51200, s11;
	s8 =	sadd.s32 $0x79200, s8;
	s11 =	simm.s32 $0x400  }
.LBB2_7:
0x13: {  	_ =	swait.ge [sflag:s17], $0x2800  }
0x14: {  	[sflag:s17] =	ssyncset.done $0x0  }
0x15: {  	[sflag:s17] =	ssyncadd.s32 $0xFFFFD800  }
0x16: {  	_ =	swait.ge [sflag:s18], $0x2800  }
0x17: {  	s19 =	sadd.s32 $0x1, s19;
	[sflag:s18] =	ssyncset.done $0x0  }
0x18: {  	p0 =	sne.s32 s19, s9;
	[sflag:s18] =	ssyncadd.s32 $0xFFFFD800  }
.Ltmp1:
0x19: {  	[bflag:$0x0] =	sbarrier.arrive $0xFFFF;
	(pc) =	sbr.rel @!p0 .LBB2_8-.Ltmp1, $4  }
0x1a: {  	[hbm:s8], [sflag:s13] =	dma.local [spmem:s14], $0x2800  }
0x1b: {  	_ =	swait.ge [sflag:s12], $0x2800  }
0x1c: {  	[sflag:s12] =	ssyncset.done $0x0  }
0x1d: {  	[sflag:s12] =	ssyncadd.s32 $0xFFFFD800  }
.LBB2_1:
0x1e: {  	[tilespmem:s3], [sflag:$0x5] =	stream.strided.gather [hbm4b:s5+s10], $0x2780, s11, s10, $0x38;
	[tilespmem:$0x1F780] =	vst v63  }
0x1f: {  	_ =	swait.ge [sflag:s12], $0x2780  }
0x20: {  	[sflag:s12] =	ssyncset.done $0x0  }
0x21: {  	s20 =	simm.s32 $0x2780;
	[sflag:s12] =	ssyncadd.s32 $0xFFFFD880  }
0x22: {  	[tilespmem:s20], [sflag:$0x5] =	stream.linear.gather [hbm4b:s6+s3], $0x3E80, $0x38;
	[tilespmem:$0x1F780] =	vst v63  }
0x23: {  	_ =	swait.ge [sflag:s12], $0x3E80  }
0x24: {  	[sflag:s12] =	ssyncset.done $0x0  }
0x25: {  	[sflag:s12] =	ssyncadd.s32 $0xFFFFC180  }
0x26: {  	[spmem:s14], [sflag:s13] =	dma.local [hbm:s7], $0x2800  }
.Ltmp2:
0x27: {  	_ =	swait.ge [sflag:s12], $0x2800;
	(pc) =	sbr.rel .LBB2_2-.Ltmp2, $4  }
0x28: {  	[sflag:s12] =	ssyncset.done $0x0  }
0x29: {  	[sflag:s12] =	ssyncadd.s32 $0xFFFFD800  }
0x2a: {  	s21 =	simm.s32 $0x50;
	s22 =	simm.s32 $0x0;
	[bflag:$0x0] =	sbarrier.arrive $0xFFFF  }
0x2b: {  	[tilespmem:s15], [sflag:$0x1] =	stream.indirect.gather [hbm4b:s4+s16], $0x80, s3, s16, $0xb8;
	[tilespmem:$0x1F780] =	vst v63  }
.LBB2_5:
0x2c: {  	s25 =	smul.u32 $0xA000, s24;
	_ =	sdelay $0x1  }
0x2d: {  	s25 =	sshrl.u32 s25, $0x2  }
0x2e: {  	s31 =	sadd.s32 $0x1, s24;
	s25 =	sadd.s32 $0x6780, s25  }
0x2f: {  	[tilespmem:s25], [sflag:s31] =	stream.indirect.gather [hbm4b:s4+s16], $0x80, s21, s16, $0xb8;
	[tilespmem:$0x1F780] =	vst v63  }
.LBB2_6:
0x30: {  	s22 =	sadd.s32 $0x1, s22  }
0x31: {  	s24 =	smul.u32 $0xA000, s23;
	s25 =	sadd.s32 $0x1, s23;
	p0 =	sne.s32 s22, $0x7D  }
.Ltmp3:
0x32: {  	_ =	swait.ge [sflag:s25], $0x2800;
	(pc) =	sbr.rel @!p0 .LBB2_7-.Ltmp3, $4  }
0x33: {  	s24 =	sshrl.u32 s24, $0x2;
	[sflag:s25] =	ssyncset.done $0x0  }
0x34: {  	s31 =	sadd.s32 $0x3, s23;
	s24 =	sadd.s32 $0x6780, s24;
	[sflag:s25] =	ssyncadd.s32 $0xFFFFD800  }
0x35: {  	[spmem:s2] =	stream.indirect.scatter.add.f32 [tilespmem:s24], [sflag:s31], $0x80, s20, s16, $0xb8;
	[tilespmem:$0x1F780] =	vst v63  }
0x36: {  	s21 =	sadd.s32 $0x50, s21;
	s20 =	sadd.s32 $0x80, s20  }
.LBB2_2:
0x37: {  	p0 =	seq.s32 s22, $0x0  }
.Ltmp4:
0x38: {  	_ = 	snop;
	(pc) =	sbr.rel @p0 .LBB2_5-.Ltmp4, $3  }
0x39: {  	_ =	sdelay $0x1  }
0x3a: {  	s23 =	sand.u32 $0x1, s22  }
0x3b: {  	s24 =	sxor.u32 $0x1, s23  }
0x3c: {  	p0 =	seq.s32 s22, $0x7C  }
.Ltmp5:
0x3d: {  	_ = 	snop;
	(pc) =	sbr.rel @p0 .LBB2_6-.Ltmp5, $1  }
0x3e: {  	_ =	sdelay $0x3  }
.Ltmp6:
0x3f: {  	(pc) =	sbr.rel .LBB2_5-.Ltmp6, $4  }
0x40: {  	s25 =	sadd.s32 $0x3, s24  }
0x41: {  	_ =	swait.ge [sflag:s25], $0x2800  }
0x42: {  	[sflag:s25] =	ssyncset.done $0x0  }
0x43: {  	[sflag:s25] =	ssyncadd.s32 $0xFFFFD800  }
.LBB2_8:
0x44: {  	_ =	sfence.sel $0x180000  }
0x45: {  	[bflag:$0x0] =	sbarrier.arrive $0xFFFF  }
0x46: {  	p0 =	sne.s32 s0, $0x0;
	_ =	strace $0x9000004A  }
0x47: {  	s0 =	sadd.s32 @!p0 $0x100000, s1;
	[bflag:$0x2] =	sbarrier.arrive $0xFFFF  }
0x48: {  	[sflag:s0] =	ssyncadd.tile.s32 @!p0 $0x1;
	_ =	shalt  }
.Lfunc_end2:
_tile_overlayer_lowered:
.L_overlay_start_2:
0x49: {  	(tag) =	ssettag $0x2  }
0x4a: {  	s0 =	rddreg [dreg:$0x0];
	s2 =	stileid.u32  }
0x4b: {  	s1 =	rddreg [dreg:$0x1];
	p0 =	sne.s32 s2, $0x0  }
0x4c: {  	s3 =	rddreg [dreg:$0x2];
	[bflag:$0x3] =	sbarrier.arrive $0xFFFF;
	s2 =	simm.s32 @!p0 $0x1C05  }
0x4d: {  	[timem:s3], [sflag:s2] =	dma.local @!p0 [hbm:s0], s1  }
0x4e: {  	s0 =	simm.s32 @!p0 $0x5  }
0x4f: {  	_ =	swait.ge @!p0 [sflag:s0], s1  }
0x50: {  	s1 =	ssub.s32 @!p0 $0x0, s1;
	[sflag:s0] =	ssyncset.done @!p0 $0x0  }
0x51: {  	[sflag:s0] =	ssyncadd.s32 @!p0 s1  }
0x52: {  	[bflag:$0x3] =	sbarrier.arrive $0xFFFF  }
0x53: {  	_ =	shalt  }

// kernel: kernel.15.cloned.1.call-start
scs
__scs_entry_jumppad:
0x0: {  	(pc) =	sbr.rel $0x88, $3  }
0x1: {  	(tag) =	ssettag $0x0;
	lr =	simm.s32 $0x1  }
0x2: {  	[smem:$0x3F87] =	sst lr;
	_ =	strace $0xD0000000  }
0x3: {  	_ = 	snop  }
0x4: {  	_ = 	snop  }
0x5: {  	_ = 	snop  }
0x6: {  	_ = 	snop  }
0x7: {  	_ = 	snop  }
__scs_overlays_trampoline_lowered:
0x8: {  	[smem:$0x3F96] =	sst s0  }
0x9: {  	[smem:$0x3F97] =	sst s1  }
0xa: {  	[smem:$0x3F98] =	sst s2  }
0xb: {  	[smem:$0x3F99] =	sst s3  }
0xc: {  	[smem:$0x3F9A] =	sst s4  }
0xd: {  	[smem:$0x3F9B] =	sst s5  }
0xe: {  	[smem:$0x3F9C] =	sst s6  }
0xf: {  	[smem:$0x3F9D] =	sst s7  }
0x10: {  	[smem:$0x3F9E] =	sst s8  }
0x11: {  	[smem:$0x3F9F] =	sst s9;
	s0 =	simm.s32 @!p0 $0x0  }
0x12: {  	s1 =	sld [smem:$0x3F85];
	s0 =	simm.s32 @p0 $0x1  }
0x13: {  	[smem:$0x3FA0] =	sst s0;
	s0 =	simm.s32 @!p1 $0x0  }
0x14: {  	s2 =	sld [smem:$0x3F84];
	s0 =	simm.s32 @p1 $0x1  }
0x15: {  	[smem:$0x3FA1] =	sst s0;
	s0 =	simm.s32 @!p2 $0x0  }
0x16: {  	s3 =	sld [smem:$0x3FDB];
	s0 =	simm.s32 @p2 $0x1  }
0x17: {  	s4 =	simm.s32 $0x1BF5;
	[smem:$0x3FA3] =	sst s0  }
0x18: {  	s0 =	sld [smem:$0x3F86];
	_ =	swait.ge [sflag:s4], $0x0  }
0x19: {  	s7 =	sld [smem:$0x3F87]  }
0x1a: {  	s8 =	sadd.s32 $0xFFFFE003, lr  }
0x1b: {  	s9 =	sadd.s32 $0xFFFFFEF7, lr;
	s5 =	simm.s32 $0xFFFFFFFF;
	p2 =	slt.u32 s8, $0xFFFFF086  }
0x1c: {  	p1 =	slt.u32 s9, $0xF7A;
	s5 =	simm.s32 @!p2 $0x0  }
0x1d: {  	s5 =	simm.s32 @p1 $0x1;
	p0 =	seq.s32 s7, s2  }
0x1e: {  	s7 =	smul.u32 @!p0 $0xF7A, s2;
	p2 =	seq.s32 @!p0 s5, $0x0  }
0x1f: {  	s9 =	smul.u32 $0xF7A, s1;
	s8 =	simm.s32 @!p0 $0x1BF5;
	p2 =	por !p2, p0  }
0x20: {  	[sflag:s8] =	ssyncset.s32 @!p0 $0xFFFFF086;
	s6 =	sadd.s32 @!p0 s3, s7;
	s7 =	simm.s32 @!p0 $0x108  }
0x21: {  	s3 =	sadd.s32 s3, s9;
	s6 =	sadd.s32 @!p0 $0x88, s6;
	s7 =	simm.s32 @p2 $0x1082  }
0x22: {  	[simem:s7], [sflag:s8] =	dma.local @!p0 [hbm:s6], $0xF7A  }
0x23: {  	s9 =	sor.u32 $0xD0000000, s2;
	s6 =	simm.s32 $0x108;
	_ =	swait.ge @!p0 [sflag:s8], $0x0  }
0x24: {  	s3 =	sadd.s32 $0x88, s3;
	s6 =	simm.s32 @!p1 $0x1082;
	[sflag:s4] =	ssyncset.s32 $0xFFFFF086  }
0x25: {  	[simem:s6], [sflag:s4] =	dma.local [hbm:s3], $0xF7A  }
0x26: {  	[smem:$0x3F87] =	sst s1;
	(tag) =	ssettag s2;
	_ =	strace s9  }
0x27: {  	s1 =	sld [smem:$0x3F97]  }
0x28: {  	s2 =	sld [smem:$0x3F98]  }
0x29: {  	s4 =	sld [smem:$0x3F9A]  }
0x2a: {  	p0 =	seq.s32 s5, $0x0;
	s5 =	sld [smem:$0x3F9B]  }
0x2b: {  	s6 =	sld [smem:$0x3F9C]  }
0x2c: {  	s7 =	sld [smem:$0x3F9D]  }
0x2d: {  	s3 =	simm.s32 $0x108;
	s8 =	sld [smem:$0x3F9E]  }
0x2e: {  	s3 =	simm.s32 @!p0 $0x1082;
	s9 =	sld [smem:$0x3F9F]  }
0x2f: {  	lr =	sadd.s32 s0, s3;
	s0 =	sld [smem:$0x3F96]  }
0x30: {  	s3 =	sld [smem:$0x3F99]  }
0x31: {  	[smem:$0x3FA2] =	sst s10  }
0x32: {  	s10 =	sld [smem:$0x3FA0];
	_ =	sdelay $0x3  }
0x33: {  	p0 =	seq.s32 s10, $0x1;
	s10 =	sld [smem:$0x3FA2];
	_ =	sdelay $0x3  }
0x34: {  	[smem:$0x3FA2] =	sst s10  }
0x35: {  	s10 =	sld [smem:$0x3FA1];
	_ =	sdelay $0x3  }
0x36: {  	p1 =	seq.s32 s10, $0x1;
	s10 =	sld [smem:$0x3FA2];
	_ =	sdelay $0x3  }
0x37: {  	[smem:$0x3FA2] =	sst s10  }
0x38: {  	s10 =	sld [smem:$0x3FA3]  }
0x39: {  	_ = 	snop;
	(pc) =	sbr.ind lr, $3  }
0x3a: {  	_ = 	snop  }
0x3b: {  	_ = 	snop  }
0x3c: {  	p2 =	seq.s32 s10, $0x1;
	s10 =	sld [smem:$0x3FA2]  }
0x3d: {  	_ =	shalt  }
0x3e: {  	_ =	shalt  }
0x3f: {  	_ =	shalt  }
0x40: {  	_ =	shalt  }
0x41: {  	_ =	shalt  }
0x42: {  	_ =	shalt  }
0x43: {  	_ =	shalt  }
0x44: {  	_ =	shalt  }
0x45: {  	_ =	shalt  }
0x46: {  	_ =	shalt  }
0x47: {  	_ =	shalt  }
0x48: {  	_ =	shalt  }
0x49: {  	_ =	shalt  }
0x4a: {  	_ =	shalt  }
0x4b: {  	_ =	shalt  }
0x4c: {  	_ =	shalt  }
0x4d: {  	_ =	shalt  }
0x4e: {  	_ =	shalt  }
0x4f: {  	_ =	shalt  }
0x50: {  	_ =	shalt  }
0x51: {  	_ =	shalt  }
0x52: {  	_ =	shalt  }
0x53: {  	_ =	shalt  }
0x54: {  	_ =	shalt  }
0x55: {  	_ =	shalt  }
0x56: {  	_ =	shalt  }
0x57: {  	_ =	shalt  }
0x58: {  	_ =	shalt  }
0x59: {  	_ =	shalt  }
0x5a: {  	_ =	shalt  }
0x5b: {  	_ =	shalt  }
0x5c: {  	_ =	shalt  }
0x5d: {  	_ =	shalt  }
0x5e: {  	_ =	shalt  }
0x5f: {  	_ =	shalt  }
0x60: {  	_ =	shalt  }
0x61: {  	_ =	shalt  }
0x62: {  	_ =	shalt  }
0x63: {  	_ =	shalt  }
0x64: {  	_ =	shalt  }
0x65: {  	_ =	shalt  }
0x66: {  	_ =	shalt  }
0x67: {  	_ =	shalt  }
0x68: {  	_ =	shalt  }
0x69: {  	_ =	shalt  }
0x6a: {  	_ =	shalt  }
0x6b: {  	_ =	shalt  }
0x6c: {  	_ =	shalt  }
0x6d: {  	_ =	shalt  }
0x6e: {  	_ =	shalt  }
0x6f: {  	_ =	shalt  }
0x70: {  	_ =	shalt  }
0x71: {  	_ =	shalt  }
0x72: {  	_ =	shalt  }
0x73: {  	_ =	shalt  }
0x74: {  	_ =	shalt  }
0x75: {  	_ =	shalt  }
0x76: {  	_ =	shalt  }
0x77: {  	_ =	shalt  }
0x78: {  	_ =	shalt  }
0x79: {  	_ =	shalt  }
0x7a: {  	_ =	shalt  }
0x7b: {  	_ =	shalt  }
0x7c: {  	_ =	shalt  }
0x7d: {  	_ =	shalt  }
0x7e: {  	_ =	shalt  }
0x7f: {  	_ =	shalt  }
0x80: {  	_ =	shalt  }
0x81: {  	_ =	shalt  }
0x82: {  	_ =	shalt  }
0x83: {  	_ =	shalt  }
0x84: {  	_ =	shalt  }
0x85: {  	_ =	shalt  }
0x86: {  	_ =	shalt  }
0x87: {  	_ =	shalt  }
.Lfunc_end0:
.L_simem_size_0:
called_computation.2_lowered:
.L_overlay_start_0:
0x88: {  	s2 =	sld [smem:$0x3FD9]  }
0x89: {  	s3 =	sld [smem:$0x3FFE];
	_ =	sdelay $0x1  }
0x8a: {  	s1 =	srdreg.scid  }
0x8b: {  	s0 =	sand.u32 $0x1, s1  }
0x8c: {  	s16 =	sshll.u32 s0, $0xA;
	s2 =	sadd.s32 s3, s2  }
0x8d: {  	s2 =	sadd.s32 s2, s16  }
0x8e: {  	[smem:$0x3FAE] =	sst s2  }
0x8f: {  	_ = 	snop  }
0x90: {  	(tm) =	ssettm $0x1  }
0x91: {  	s17 =	sld [smem:$0x3FFB];
	_ =	sdelay $0x3  }
0x92: {  	_ =	strace s17  }
0x93: {  	s2 =	sld [smem:$0x3FFC];
	_ =	sdelay $0x3  }
0x94: {  	_ =	strace s2  }
0x95: {  	s2 =	sld [smem:$0x3FFD];
	_ =	sdelay $0x3  }
0x96: {  	_ =	strace s2  }
0x97: {  	_ =	strace $0x8FFFFFFF  }
0x98: {  	s18 =	sld [smem:$0x3FDB];
	_ =	sdelay $0x1  }
0x99: {  	s19 =	simm.s32 $_scs_section_size  }
0x9a: {  	s4 =	simm.s32 $_size__tile_overlayer_lowered;
	s5 =	simm.s32 $_tile_overlayer_lowered  }
0x9b: {  	s22 =	simm.s32 $0x1BFF;
	s21 =	sshll.u32 s5, $0x1;
	s2 =	sadd.s32 s19, s18  }
0x9c: {  	s6 =	simm.s32 $0x0;
	s20 =	sshll.u32 s4, $0x1;
	s4 =	sadd.s32 s21, s2  }
0x9d: {  	[timem:s6], [sflag:s22] =	dma.local [hbm:s4], s20  }
0x9e: {  	_ =	swait.ge [sflag:s22], s20  }
0x9f: {  	s3 =	ssub.s32 $0x0, s20;
	[sflag:s22] =	ssyncset.done $0x0  }
0xa0: {  	[sflag:s22] =	ssyncadd.s32 s3;
	_ =	sdelay $0x1  }
0xa1: {  	s23 =	simm.s32 $0x1B8B  }
0xa2: {  	_ =	swait.ge [sflag:s23], $0x1  }
0xa3: {  	[sflag:s23] =	ssyncset.done $0x0  }
0xa4: {  	s25 =	simm.s32 $0x1B8E;
	s24 =	sld [smem:$0x3FFE];
	[sflag:s23] =	ssyncadd.s32 $0xFFFFFFFF  }
0xa5: {  	s26 =	simm.s32 $execute0_lowered;
	[smem:$0x3FD2] =	sst s25  }
0xa6: {  	s4 =	sshll.u32 s26, $0x1;
	_ =	strace $0x8000004C;
	[dreg:$0x1] =	wrdreg $0xFFFFFFFF  }
0xa7: {  	s28 =	simm.s32 $_size_execute0_lowered;
	s2 =	sadd.s32 s2, s4;
	[dreg:$0x0] =	wrdreg $0x0  }
0xa8: {  	s4 =	sshll.u32 s28, $0x1;
	[dreg:$0x2] =	wrdreg s2  }
0xa9: {  	[dreg:$0x3] =	wrdreg s4  }
0xaa: {  	[dreg:$0x4] =	wrdreg $0xC0  }
0xab: {  	_ =	task [dreg:s6], $0x5FFFF  }
0xac: {  	[dreg:$0x1] =	wrdreg $0xFFFFFFFF  }
0xad: {  	[dreg:$0x0] =	wrdreg $0x60  }
0xae: {  	[dreg:$0x2] =	wrdreg s24  }
0xaf: {  	[dreg:$0x3] =	wrdreg $0xB7800  }
0xb0: {  	[dreg:$0x4] =	wrdreg $0x9  }
0xb1: {  	_ =	task.clear_ibuf [dreg:s6], $0x5FFFF;
	_ =	strace $0x9000004C  }
0xb2: {  	s29 =	simm.s32 $0x9;
	_ =	strace $0x8000004E  }
0xb3: {  	_ =	swait.ge [sflag:s29], $0x1  }
0xb4: {  	[sflag:s29] =	ssyncadd.s32 $0xFFFFFFFF  }
0xb5: {  	_ =	strace $0x9000004E  }
0xb6: {  	_ =	sfence  }
0xb7: {  	s30 =	sld [smem:$0x0];
	_ =	sdelay $0x2  }
0xb8: {  	s31 =	sshll.u32 s1, $0xD;
	s1 =	sshrl.u32 s1, $0x2  }
0xb9: {  	s3 =	sand.u32 $0x4000, s31;
	s1 =	sadd.s32 s1, s30  }
0xba: {  	s0 =	sor.u32 s3, s0;
	s1 =	sshll.u32 s1, $0x11  }
0xbb: {  	s0 =	sor.u32 s1, s0  }
0xbc: {  	s0 =	sadd.s32 $0x8F2B, s0  }
0xbd: {  	[sflag:s0] =	ssyncadd.remote.s32 $0x1  }
0xbe: {  	_ =	sfence.sel $0xFFFF  }
0xbf: {  	[dreg:$0x0] =	wrdreg $0xFFFFFFFF;
	(pc) =	sbr.abs _section_cstart, $3  }
0xc0: {  	[dreg:$0x1] =	wrdreg $0xFFFFFFFF  }
0xc1: {  	_ =	task.clear_ibuf [dreg:s6], $0x2FFFF;
	_ =	strace $0x9FFFFFFF  }
0xc2: {  	(tm) =	ssettm $0x7FFFFFFF  }
0xc3: {  	_ =	shalt  }
tec
execute0_lowered:
.L_overlay_start_1:
0x0: {  	(tag) =	ssettag $0x1  }
0x1: {  	s5 =	rddreg [dreg:$0x0]  }
0x2: {  	s1 =	srdreg.scid;
	s0 =	stileid.u32  }
0x3: {  	s2 =	rddreg [dreg:$0x1];
	s15 =	simm.s32 $0x6780;
	s16 =	simm.s32 $0x50  }
0x4: {  	s17 =	simm.s32 $0x4;
	s18 =	simm.s32 $0x3;
	s19 =	simm.s32 $0x0  }
0x5: {  	s6 =	sand.u32 $0x1, s1;
	s3 =	sshll.u32 s0, $0x1;
	s29 =	smul.u32 $0x14000, s0  }
0x6: {  	s1 =	rddreg [dreg:$0x2];
	s7 =	sshrl.u32 s0, $0x2;
	s12 =	smul.u32 $0x50000, s0  }
0x7: {  	s13 =	sshll.u32 s0, $0x6;
	s4 =	sor.u32 s6, s3;
	s7 =	smul.u32 $0x13C00, s7  }
0x8: {  	s3 =	simm.s32 $0x0;
	s10 =	smul.u32 $0x140000, s6;
	s6 =	ssub.s32 $0x2, s6  }
0x9: {  	s13 =	sor.u32 $0x1C05, s13;
	s8 =	sshll.u32 s4, $0x7;
	[smem:$0x7FF] =	sst s3  }
0xa: {  	s9 =	sshll.u32 s4, $0xB;
	s4 =	sadd.s32 $0x2A000, s5;
	s11 =	sshrl.u32 s29, $0x3  }
0xb: {  	s30 =	sshrl.u32 s6, $0x1;
	s31 =	sshrl.u32 s12, $0x2;
	s12 =	simm.s32 $0x5  }
0xc: {  	s8 =	sand.u32 $0x380, s8;
	_ =	strace $0x8000004D;
	s9 =	sadd.s32 s9, s5  }
0xd: {  	s11 =	sadd.s32 s11, s5;
	s14 =	sadd.s32 s31, s2;
	s7 =	sor.u32 s7, s8  }
.Ltmp0:
0xe: {  	s8 =	sadd.s32 s29, s10;
	s10 =	ssub.s32 s6, s30;
	(pc) =	sbr.rel .LBB2_1-.Ltmp0, $4  }
0xf: {  	s6 =	sadd.s32 $0x10200, s9;
	s14 =	sshrl.u32 s14, $0x3;
	s7 =	sshrl.u32 s7, $0x3  }
0x10: {  	s8 =	sshrl.u32 s8, $0x3;
	s9 =	smax.u32 s10, $0x1;
	s7 =	sadd.s32 s7, s5  }
0x11: {  	s10 =	simm.s32 $0x80;
	s8 =	sadd.s32 s8, s5;
	s5 =	sadd.s32 $0x20200, s7  }
0x12: {  	s7 =	sadd.s32 $0x51200, s11;
	s8 =	sadd.s32 $0x79200, s8;
	s11 =	simm.s32 $0x400  }
.LBB2_7:
0x13: {  	_ =	swait.ge [sflag:s17], $0x2800  }
0x14: {  	[sflag:s17] =	ssyncset.done $0x0  }
0x15: {  	[sflag:s17] =	ssyncadd.s32 $0xFFFFD800  }
0x16: {  	_ =	swait.ge [sflag:s18], $0x2800  }
0x17: {  	s19 =	sadd.s32 $0x1, s19;
	[sflag:s18] =	ssyncset.done $0x0  }
0x18: {  	p0 =	sne.s32 s19, s9;
	[sflag:s18] =	ssyncadd.s32 $0xFFFFD800  }
.Ltmp1:
0x19: {  	[bflag:$0x0] =	sbarrier.arrive $0xFFFF;
	(pc) =	sbr.rel @!p0 .LBB2_8-.Ltmp1, $4  }
0x1a: {  	[hbm:s8], [sflag:s13] =	dma.local [spmem:s14], $0x2800  }
0x1b: {  	_ =	swait.ge [sflag:s12], $0x2800  }
0x1c: {  	[sflag:s12] =	ssyncset.done $0x0  }
0x1d: {  	[sflag:s12] =	ssyncadd.s32 $0xFFFFD800  }
.LBB2_1:
0x1e: {  	[tilespmem:s3], [sflag:$0x5] =	stream.strided.gather [hbm4b:s5+s10], $0x2780, s11, s10, $0x38;
	[tilespmem:$0x1F780] =	vst v63  }
0x1f: {  	_ =	swait.ge [sflag:s12], $0x2780  }
0x20: {  	[sflag:s12] =	ssyncset.done $0x0  }
0x21: {  	s20 =	simm.s32 $0x2780;
	[sflag:s12] =	ssyncadd.s32 $0xFFFFD880  }
0x22: {  	[tilespmem:s20], [sflag:$0x5] =	stream.linear.gather [hbm4b:s6+s3], $0x3E80, $0x38;
	[tilespmem:$0x1F780] =	vst v63  }
0x23: {  	_ =	swait.ge [sflag:s12], $0x3E80  }
0x24: {  	[sflag:s12] =	ssyncset.done $0x0  }
0x25: {  	[sflag:s12] =	ssyncadd.s32 $0xFFFFC180  }
0x26: {  	[spmem:s14], [sflag:s13] =	dma.local [hbm:s7], $0x2800  }
.Ltmp2:
0x27: {  	_ =	swait.ge [sflag:s12], $0x2800;
	(pc) =	sbr.rel .LBB2_2-.Ltmp2, $4  }
0x28: {  	[sflag:s12] =	ssyncset.done $0x0  }
0x29: {  	[sflag:s12] =	ssyncadd.s32 $0xFFFFD800  }
0x2a: {  	s21 =	simm.s32 $0x50;
	s22 =	simm.s32 $0x0;
	[bflag:$0x0] =	sbarrier.arrive $0xFFFF  }
0x2b: {  	[tilespmem:s15], [sflag:$0x1] =	stream.indirect.gather [hbm4b:s4+s16], $0x80, s3, s16, $0xb8;
	[tilespmem:$0x1F780] =	vst v63  }
.LBB2_5:
0x2c: {  	s25 =	smul.u32 $0xA000, s24;
	_ =	sdelay $0x1  }
0x2d: {  	s25 =	sshrl.u32 s25, $0x2  }
0x2e: {  	s31 =	sadd.s32 $0x1, s24;
	s25 =	sadd.s32 $0x6780, s25  }
0x2f: {  	[tilespmem:s25], [sflag:s31] =	stream.indirect.gather [hbm4b:s4+s16], $0x80, s21, s16, $0xb8;
	[tilespmem:$0x1F780] =	vst v63  }
.LBB2_6:
0x30: {  	s22 =	sadd.s32 $0x1, s22  }
0x31: {  	s24 =	smul.u32 $0xA000, s23;
	s25 =	sadd.s32 $0x1, s23;
	p0 =	sne.s32 s22, $0x7D  }
.Ltmp3:
0x32: {  	_ =	swait.ge [sflag:s25], $0x2800;
	(pc) =	sbr.rel @!p0 .LBB2_7-.Ltmp3, $4  }
0x33: {  	s24 =	sshrl.u32 s24, $0x2;
	[sflag:s25] =	ssyncset.done $0x0  }
0x34: {  	s31 =	sadd.s32 $0x3, s23;
	s24 =	sadd.s32 $0x6780, s24;
	[sflag:s25] =	ssyncadd.s32 $0xFFFFD800  }
0x35: {  	[spmem:s2] =	stream.indirect.scatter.add.f32 [tilespmem:s24], [sflag:s31], $0x80, s20, s16, $0xb8;
	[tilespmem:$0x1F780] =	vst v63  }
0x36: {  	s21 =	sadd.s32 $0x50, s21;
	s20 =	sadd.s32 $0x80, s20  }
.LBB2_2:
0x37: {  	p0 =	seq.s32 s22, $0x0  }
.Ltmp4:
0x38: {  	_ = 	snop;
	(pc) =	sbr.rel @p0 .LBB2_5-.Ltmp4, $3  }
0x39: {  	_ =	sdelay $0x1  }
0x3a: {  	s23 =	sand.u32 $0x1, s22  }
0x3b: {  	s24 =	sxor.u32 $0x1, s23  }
0x3c: {  	p0 =	seq.s32 s22, $0x7C  }
.Ltmp5:
0x3d: {  	_ = 	snop;
	(pc) =	sbr.rel @p0 .LBB2_6-.Ltmp5, $1  }
0x3e: {  	_ =	sdelay $0x3  }
.Ltmp6:
0x3f: {  	(pc) =	sbr.rel .LBB2_5-.Ltmp6, $4  }
0x40: {  	s25 =	sadd.s32 $0x3, s24  }
0x41: {  	_ =	swait.ge [sflag:s25], $0x2800  }
0x42: {  	[sflag:s25] =	ssyncset.done $0x0  }
0x43: {  	[sflag:s25] =	ssyncadd.s32 $0xFFFFD800  }
.LBB2_8:
0x44: {  	_ =	sfence.sel $0x180000  }
0x45: {  	[bflag:$0x0] =	sbarrier.arrive $0xFFFF  }
0x46: {  	p0 =	sne.s32 s0, $0x0;
	_ =	strace $0x9000004D  }
0x47: {  	s0 =	sadd.s32 @!p0 $0x100000, s1;
	[bflag:$0x2] =	sbarrier.arrive $0xFFFF  }
0x48: {  	[sflag:s0] =	ssyncadd.tile.s32 @!p0 $0x1;
	_ =	shalt  }
.Lfunc_end2:
_tile_overlayer_lowered:
.L_overlay_start_2:
0x49: {  	(tag) =	ssettag $0x2  }
0x4a: {  	s0 =	rddreg [dreg:$0x0];
	s2 =	stileid.u32  }
0x4b: {  	s1 =	rddreg [dreg:$0x1];
	p0 =	sne.s32 s2, $0x0  }
0x4c: {  	s3 =	rddreg [dreg:$0x2];
	[bflag:$0x3] =	sbarrier.arrive $0xFFFF;
	s2 =	simm.s32 @!p0 $0x1C05  }
0x4d: {  	[timem:s3], [sflag:s2] =	dma.local @!p0 [hbm:s0], s1  }
0x4e: {  	s0 =	simm.s32 @!p0 $0x5  }
0x4f: {  	_ =	swait.ge @!p0 [sflag:s0], s1  }
0x50: {  	s1 =	ssub.s32 @!p0 $0x0, s1;
	[sflag:s0] =	ssyncset.done @!p0 $0x0  }
0x51: {  	[sflag:s0] =	ssyncadd.s32 @!p0 s1  }
0x52: {  	[bflag:$0x3] =	sbarrier.arrive $0xFFFF  }
0x53: {  	_ =	shalt  }

// kernel: kernel.9.cloned.1.call-start
scs
__scs_entry_jumppad:
0x0: {  	(pc) =	sbr.rel $0x88, $3  }
0x1: {  	(tag) =	ssettag $0x0;
	lr =	simm.s32 $0x1  }
0x2: {  	[smem:$0x3F87] =	sst lr;
	_ =	strace $0xD0000000  }
0x3: {  	_ = 	snop  }
0x4: {  	_ = 	snop  }
0x5: {  	_ = 	snop  }
0x6: {  	_ = 	snop  }
0x7: {  	_ = 	snop  }
__scs_overlays_trampoline_lowered:
0x8: {  	[smem:$0x3F96] =	sst s0  }
0x9: {  	[smem:$0x3F97] =	sst s1  }
0xa: {  	[smem:$0x3F98] =	sst s2  }
0xb: {  	[smem:$0x3F99] =	sst s3  }
0xc: {  	[smem:$0x3F9A] =	sst s4  }
0xd: {  	[smem:$0x3F9B] =	sst s5  }
0xe: {  	[smem:$0x3F9C] =	sst s6  }
0xf: {  	[smem:$0x3F9D] =	sst s7  }
0x10: {  	[smem:$0x3F9E] =	sst s8  }
0x11: {  	[smem:$0x3F9F] =	sst s9;
	s0 =	simm.s32 @!p0 $0x0  }
0x12: {  	s1 =	sld [smem:$0x3F85];
	s0 =	simm.s32 @p0 $0x1  }
0x13: {  	[smem:$0x3FA0] =	sst s0;
	s0 =	simm.s32 @!p1 $0x0  }
0x14: {  	s2 =	sld [smem:$0x3F84];
	s0 =	simm.s32 @p1 $0x1  }
0x15: {  	[smem:$0x3FA1] =	sst s0;
	s0 =	simm.s32 @!p2 $0x0  }
0x16: {  	s3 =	sld [smem:$0x3FDB];
	s0 =	simm.s32 @p2 $0x1  }
0x17: {  	s4 =	simm.s32 $0x1BF5;
	[smem:$0x3FA3] =	sst s0  }
0x18: {  	s0 =	sld [smem:$0x3F86];
	_ =	swait.ge [sflag:s4], $0x0  }
0x19: {  	s7 =	sld [smem:$0x3F87]  }
0x1a: {  	s8 =	sadd.s32 $0xFFFFE003, lr  }
0x1b: {  	s9 =	sadd.s32 $0xFFFFFEF7, lr;
	s5 =	simm.s32 $0xFFFFFFFF;
	p2 =	slt.u32 s8, $0xFFFFF086  }
0x1c: {  	p1 =	slt.u32 s9, $0xF7A;
	s5 =	simm.s32 @!p2 $0x0  }
0x1d: {  	s5 =	simm.s32 @p1 $0x1;
	p0 =	seq.s32 s7, s2  }
0x1e: {  	s7 =	smul.u32 @!p0 $0xF7A, s2;
	p2 =	seq.s32 @!p0 s5, $0x0  }
0x1f: {  	s9 =	smul.u32 $0xF7A, s1;
	s8 =	simm.s32 @!p0 $0x1BF5;
	p2 =	por !p2, p0  }
0x20: {  	[sflag:s8] =	ssyncset.s32 @!p0 $0xFFFFF086;
	s6 =	sadd.s32 @!p0 s3, s7;
	s7 =	simm.s32 @!p0 $0x108  }
0x21: {  	s3 =	sadd.s32 s3, s9;
	s6 =	sadd.s32 @!p0 $0x88, s6;
	s7 =	simm.s32 @p2 $0x1082  }
0x22: {  	[simem:s7], [sflag:s8] =	dma.local @!p0 [hbm:s6], $0xF7A  }
0x23: {  	s9 =	sor.u32 $0xD0000000, s2;
	s6 =	simm.s32 $0x108;
	_ =	swait.ge @!p0 [sflag:s8], $0x0  }
0x24: {  	s3 =	sadd.s32 $0x88, s3;
	s6 =	simm.s32 @!p1 $0x1082;
	[sflag:s4] =	ssyncset.s32 $0xFFFFF086  }
0x25: {  	[simem:s6], [sflag:s4] =	dma.local [hbm:s3], $0xF7A  }
0x26: {  	[smem:$0x3F87] =	sst s1;
	(tag) =	ssettag s2;
	_ =	strace s9  }
0x27: {  	s1 =	sld [smem:$0x3F97]  }
0x28: {  	s2 =	sld [smem:$0x3F98]  }
0x29: {  	s4 =	sld [smem:$0x3F9A]  }
0x2a: {  	p0 =	seq.s32 s5, $0x0;
	s5 =	sld [smem:$0x3F9B]  }
0x2b: {  	s6 =	sld [smem:$0x3F9C]  }
0x2c: {  	s7 =	sld [smem:$0x3F9D]  }
0x2d: {  	s3 =	simm.s32 $0x108;
	s8 =	sld [smem:$0x3F9E]  }
0x2e: {  	s3 =	simm.s32 @!p0 $0x1082;
	s9 =	sld [smem:$0x3F9F]  }
0x2f: {  	lr =	sadd.s32 s0, s3;
	s0 =	sld [smem:$0x3F96]  }
0x30: {  	s3 =	sld [smem:$0x3F99]  }
0x31: {  	[smem:$0x3FA2] =	sst s10  }
0x32: {  	s10 =	sld [smem:$0x3FA0];
	_ =	sdelay $0x3  }
0x33: {  	p0 =	seq.s32 s10, $0x1;
	s10 =	sld [smem:$0x3FA2];
	_ =	sdelay $0x3  }
0x34: {  	[smem:$0x3FA2] =	sst s10  }
0x35: {  	s10 =	sld [smem:$0x3FA1];
	_ =	sdelay $0x3  }
0x36: {  	p1 =	seq.s32 s10, $0x1;
	s10 =	sld [smem:$0x3FA2];
	_ =	sdelay $0x3  }
0x37: {  	[smem:$0x3FA2] =	sst s10  }
0x38: {  	s10 =	sld [smem:$0x3FA3]  }
0x39: {  	_ = 	snop;
	(pc) =	sbr.ind lr, $3  }
0x3a: {  	_ = 	snop  }
0x3b: {  	_ = 	snop  }
0x3c: {  	p2 =	seq.s32 s10, $0x1;
	s10 =	sld [smem:$0x3FA2]  }
0x3d: {  	_ =	shalt  }
0x3e: {  	_ =	shalt  }
0x3f: {  	_ =	shalt  }
0x40: {  	_ =	shalt  }
0x41: {  	_ =	shalt  }
0x42: {  	_ =	shalt  }
0x43: {  	_ =	shalt  }
0x44: {  	_ =	shalt  }
0x45: {  	_ =	shalt  }
0x46: {  	_ =	shalt  }
0x47: {  	_ =	shalt  }
0x48: {  	_ =	shalt  }
0x49: {  	_ =	shalt  }
0x4a: {  	_ =	shalt  }
0x4b: {  	_ =	shalt  }
0x4c: {  	_ =	shalt  }
0x4d: {  	_ =	shalt  }
0x4e: {  	_ =	shalt  }
0x4f: {  	_ =	shalt  }
0x50: {  	_ =	shalt  }
0x51: {  	_ =	shalt  }
0x52: {  	_ =	shalt  }
0x53: {  	_ =	shalt  }
0x54: {  	_ =	shalt  }
0x55: {  	_ =	shalt  }
0x56: {  	_ =	shalt  }
0x57: {  	_ =	shalt  }
0x58: {  	_ =	shalt  }
0x59: {  	_ =	shalt  }
0x5a: {  	_ =	shalt  }
0x5b: {  	_ =	shalt  }
0x5c: {  	_ =	shalt  }
0x5d: {  	_ =	shalt  }
0x5e: {  	_ =	shalt  }
0x5f: {  	_ =	shalt  }
0x60: {  	_ =	shalt  }
0x61: {  	_ =	shalt  }
0x62: {  	_ =	shalt  }
0x63: {  	_ =	shalt  }
0x64: {  	_ =	shalt  }
0x65: {  	_ =	shalt  }
0x66: {  	_ =	shalt  }
0x67: {  	_ =	shalt  }
0x68: {  	_ =	shalt  }
0x69: {  	_ =	shalt  }
0x6a: {  	_ =	shalt  }
0x6b: {  	_ =	shalt  }
0x6c: {  	_ =	shalt  }
0x6d: {  	_ =	shalt  }
0x6e: {  	_ =	shalt  }
0x6f: {  	_ =	shalt  }
0x70: {  	_ =	shalt  }
0x71: {  	_ =	shalt  }
0x72: {  	_ =	shalt  }
0x73: {  	_ =	shalt  }
0x74: {  	_ =	shalt  }
0x75: {  	_ =	shalt  }
0x76: {  	_ =	shalt  }
0x77: {  	_ =	shalt  }
0x78: {  	_ =	shalt  }
0x79: {  	_ =	shalt  }
0x7a: {  	_ =	shalt  }
0x7b: {  	_ =	shalt  }
0x7c: {  	_ =	shalt  }
0x7d: {  	_ =	shalt  }
0x7e: {  	_ =	shalt  }
0x7f: {  	_ =	shalt  }
0x80: {  	_ =	shalt  }
0x81: {  	_ =	shalt  }
0x82: {  	_ =	shalt  }
0x83: {  	_ =	shalt  }
0x84: {  	_ =	shalt  }
0x85: {  	_ =	shalt  }
0x86: {  	_ =	shalt  }
0x87: {  	_ =	shalt  }
.Lfunc_end0:
.L_simem_size_0:
called_computation_lowered:
.L_overlay_start_0:
0x88: {  	s2 =	sld [smem:$0x3FD9]  }
0x89: {  	s3 =	sld [smem:$0x3FFE];
	_ =	sdelay $0x1  }
0x8a: {  	s1 =	srdreg.scid  }
0x8b: {  	s0 =	sand.u32 $0x1, s1  }
0x8c: {  	s17 =	sshll.u32 s0, $0xA;
	s2 =	sadd.s32 s3, s2  }
0x8d: {  	s2 =	sadd.s32 s2, s17  }
0x8e: {  	[smem:$0x3FAE] =	sst s2  }
0x8f: {  	_ = 	snop  }
0x90: {  	s2 =	sld [smem:$0x3FD0];
	(tm) =	ssettm $0x1  }
0x91: {  	s18 =	sld [smem:$0x3FFB];
	_ =	sdelay $0x3  }
0x92: {  	_ =	strace s18  }
0x93: {  	s3 =	sld [smem:$0x3FFC];
	_ =	sdelay $0x3  }
0x94: {  	_ =	strace s3  }
0x95: {  	s3 =	sld [smem:$0x3FFD];
	_ =	sdelay $0x3  }
0x96: {  	_ =	strace s3  }
0x97: {  	_ =	strace $0x8FFFFFFF  }
0x98: {  	s19 =	sld [smem:$0x3FDB];
	_ =	sdelay $0x1  }
0x99: {  	s4 =	simm.s32 $_scs_section_size  }
0x9a: {  	s5 =	simm.s32 $_size__tile_overlayer_lowered;
	s6 =	simm.s32 $_tile_overlayer_lowered  }
0x9b: {  	s22 =	simm.s32 $0x1BFF;
	s21 =	sshll.u32 s6, $0x1;
	s3 =	sadd.s32 s4, s19  }
0x9c: {  	s7 =	simm.s32 $0x0;
	s20 =	sshll.u32 s5, $0x1;
	s5 =	sadd.s32 s21, s3  }
0x9d: {  	[timem:s7], [sflag:s22] =	dma.local [hbm:s5], s20  }
0x9e: {  	_ =	swait.ge [sflag:s22], s20  }
0x9f: {  	s4 =	ssub.s32 $0x0, s20;
	[sflag:s22] =	ssyncset.done $0x0  }
0xa0: {  	[sflag:s22] =	ssyncadd.s32 s4;
	_ =	sdelay $0x1  }
0xa1: {  	s23 =	simm.s32 $0x1B8B  }
0xa2: {  	_ =	swait.ge [sflag:s23], $0x1  }
0xa3: {  	[sflag:s23] =	ssyncset.done $0x0  }
0xa4: {  	s25 =	simm.s32 $0x1B8E;
	s24 =	sld [smem:$0x3FFE];
	[sflag:s23] =	ssyncadd.s32 $0xFFFFFFFF  }
0xa5: {  	s26 =	simm.s32 $execute0_lowered;
	[smem:$0x3FD2] =	sst s25  }
0xa6: {  	s5 =	sshll.u32 s26, $0x1;
	_ =	strace $0x80000046;
	[dreg:$0x1] =	wrdreg $0xFFFFFFFF  }
0xa7: {  	s28 =	simm.s32 $_size_execute0_lowered;
	s3 =	sadd.s32 s3, s5;
	[dreg:$0x0] =	wrdreg $0x0  }
0xa8: {  	s5 =	sshll.u32 s28, $0x1;
	[dreg:$0x2] =	wrdreg s3  }
0xa9: {  	[dreg:$0x3] =	wrdreg s5  }
0xaa: {  	[dreg:$0x4] =	wrdreg $0xC0  }
0xab: {  	_ =	task [dreg:s7], $0x5FFFF  }
0xac: {  	[dreg:$0x1] =	wrdreg $0xFFFFFFFF  }
0xad: {  	[dreg:$0x0] =	wrdreg $0x60  }
0xae: {  	[dreg:$0x2] =	wrdreg s24  }
0xaf: {  	[dreg:$0x3] =	wrdreg s2  }
0xb0: {  	[dreg:$0x4] =	wrdreg $0x28000  }
0xb1: {  	[dreg:$0x5] =	wrdreg $0x9  }
0xb2: {  	_ =	task.clear_ibuf [dreg:s7], $0x6FFFF;
	_ =	strace $0x90000046  }
0xb3: {  	s29 =	simm.s32 $0x9;
	_ =	strace $0x80000048  }
0xb4: {  	_ =	swait.ge [sflag:s29], $0x1  }
0xb5: {  	[sflag:s29] =	ssyncadd.s32 $0xFFFFFFFF  }
0xb6: {  	_ =	strace $0x90000048  }
0xb7: {  	_ =	sfence  }
0xb8: {  	s30 =	sld [smem:$0x0];
	_ =	sdelay $0x2  }
0xb9: {  	s31 =	sshll.u32 s1, $0xD;
	s1 =	sshrl.u32 s1, $0x2  }
0xba: {  	s3 =	sand.u32 $0x4000, s31;
	s1 =	sadd.s32 s1, s30  }
0xbb: {  	s0 =	sor.u32 s3, s0;
	s1 =	sshll.u32 s1, $0x11  }
0xbc: {  	s0 =	sor.u32 s1, s0  }
0xbd: {  	s0 =	sadd.s32 $0x8F2B, s0  }
0xbe: {  	[sflag:s0] =	ssyncadd.remote.s32 $0x1  }
0xbf: {  	_ =	sfence.sel $0xFFFF  }
0xc0: {  	[dreg:$0x0] =	wrdreg $0xFFFFFFFF;
	(pc) =	sbr.abs _section_cstart, $3  }
0xc1: {  	[dreg:$0x1] =	wrdreg $0xFFFFFFFF  }
0xc2: {  	_ =	task.clear_ibuf [dreg:s7], $0x2FFFF;
	_ =	strace $0x9FFFFFFF  }
0xc3: {  	(tm) =	ssettm $0x7FFFFFFF  }
tec
execute0_lowered:
.L_overlay_start_1:
0x0: {  	(tag) =	ssettag $0x1  }
0x1: {  	s5 =	rddreg [dreg:$0x0];
	s0 =	stileid.u32  }
0x2: {  	s1 =	rddreg [dreg:$0x1];
	s4 =	srdreg.scid  }
0x3: {  	s3 =	rddreg [dreg:$0x2];
	s12 =	simm.s32 $0x2780;
	s15 =	simm.s32 $0x50  }
0x4: {  	s16 =	simm.s32 $0x1;
	s17 =	simm.s32 $0x20;
	s18 =	simm.s32 $0x10  }
0x5: {  	s19 =	simm.s32 $0x0;
	s2 =	sshrl.u32 s0, $0x2;
	s9 =	smul.u32 $0x500, s0  }
0x6: {  	s28 =	sshll.u32 s0, $0x8;
	s7 =	sand.u32 $0x1, s4;
	s10 =	smul.u32 $0x280, s0  }
0x7: {  	s4 =	simm.s32 $0x0;
	s13 =	sshll.u32 s0, $0x6;
	s6 =	smul.u32 $0x13C00, s2  }
0x8: {  	s29 =	sand.u32 $0x300, s28;
	s2 =	rddreg [dreg:$0x3];
	s8 =	sshll.u32 s7, $0x7  }
0x9: {  	[smem:$0x7FF] =	sst s4;
	s7 =	ssub.s32 $0x2, s7;
	s13 =	sor.u32 $0x1C02, s13  }
0xa: {  	_ =	strace $0x80000047;
	s30 =	sshrl.u32 s10, $0x3;
	s31 =	sshrl.u32 s7, $0x1  }
0xb: {  	s14 =	sadd.s32 s10, s3;
	s10 =	simm.s32 $0x400;
	s6 =	sor.u32 s6, s29  }
0xc: {  	s11 =	ssub.s32 s7, s31;
	s6 =	sor.u32 s8, s6;
	s8 =	sor.u32 s8, s9  }
0xd: {  	s14 =	sshrl.u32 s14, $0x3;
	s6 =	sshrl.u32 s6, $0x3;
	s8 =	sshrl.u32 s8, $0x3  }
0xe: {  	s9 =	sadd.s32 s30, s5;
	s6 =	sadd.s32 s6, s5;
	s8 =	sadd.s32 s8, s5  }
0xf: {  	s5 =	sadd.s32 $0x5400, s6;
	s6 =	sadd.s32 $0xF200, s9;
	s7 =	sadd.s32 $0xF800, s8  }
0x10: {  	s8 =	smax.u32 s11, $0x1;
	s9 =	simm.s32 $0x80;
	s11 =	simm.s32 $0x2  }
.LBB2_1:
0x11: {  	[tilespmem:s4], [sflag:$0x2] =	stream.strided.gather [hbm4b:s5+s9], $0x2780, s10, s9, $0x38;
	[tilespmem:$0x2A80] =	vst v63  }
0x12: {  	_ =	swait.ge [sflag:s11], $0x2780  }
0x13: {  	[sflag:s11] =	ssyncset.done $0x0  }
0x14: {  	[sflag:s11] =	ssyncadd.s32 $0xFFFFD880  }
0x15: {  	[tilespmem:s12], [sflag:$0x2] =	stream.linear.gather [hbm4b:s1+s4], $0x80, $0x38;
	[tilespmem:$0x2A80] =	vst v63  }
0x16: {  	_ =	swait.ge [sflag:s11], $0x80  }
0x17: {  	[sflag:s11] =	ssyncset.done $0x0  }
0x18: {  	[sflag:s11] =	ssyncadd.s32 $0xFFFFFF80  }
0x19: {  	[spmem:s14], [sflag:s13] =	dma.local [hbm:s6], $0x50  }
0x1a: {  	_ =	swait.ge [sflag:s11], $0x50  }
0x1b: {  	[sflag:s11] =	ssyncset.done $0x0  }
0x1c: {  	[sflag:s11] =	ssyncadd.s32 $0xFFFFFFB0  }
0x1d: {  	s20 =	simm.s32 $0x0;
	[bflag:$0x0] =	sbarrier.arrive $0xFFFF  }
0x1e: {  	[spmem:s3] =	stream.indirect.scatter.add.f32 [tilespmem:s12], [sflag:$0x1], $0x1, s20, s15, $0xb8;
	[tilespmem:$0x2A80] =	vst v63  }
0x1f: {  	s28 =	simm.s32 $0x50  }
0x20: {  	[spmem:s3] =	stream.indirect.scatter.add.f32 [tilespmem:s12], [sflag:$0x1], $0x1, s28, s15, $0xb8;
	[tilespmem:$0x2A80] =	vst v63  }
0x21: {  	s29 =	simm.s32 $0xA0  }
0x22: {  	[spmem:s3] =	stream.indirect.scatter.add.f32 [tilespmem:s12], [sflag:$0x1], $0x1, s29, s15, $0xb8;
	[tilespmem:$0x2A80] =	vst v63  }
0x23: {  	s30 =	simm.s32 $0xF0  }
0x24: {  	[spmem:s3] =	stream.indirect.scatter.add.f32 [tilespmem:s12], [sflag:$0x1], $0x1, s30, s15, $0xb8;
	[tilespmem:$0x2A80] =	vst v63  }
0x25: {  	s31 =	simm.s32 $0x140  }
0x26: {  	[spmem:s3] =	stream.indirect.scatter.add.f32 [tilespmem:s12], [sflag:$0x1], $0x1, s31, s15, $0xb8;
	[tilespmem:$0x2A80] =	vst v63  }
0x27: {  	_ =	swait.ge [sflag:s16], $0x50  }
0x28: {  	[sflag:s16] =	ssyncset.done $0x0  }
0x29: {  	[sflag:s16] =	ssyncadd.s32 $0xFFFFFFB0  }
0x2a: {  	_ =	swait.ge [sflag:s16], $0x50  }
0x2b: {  	[sflag:s16] =	ssyncset.done $0x0  }
0x2c: {  	[sflag:s16] =	ssyncadd.s32 $0xFFFFFFB0  }
0x2d: {  	_ =	swait.ge [sflag:s16], $0x50  }
0x2e: {  	[sflag:s16] =	ssyncset.done $0x0  }
0x2f: {  	[sflag:s16] =	ssyncadd.s32 $0xFFFFFFB0  }
0x30: {  	_ =	swait.ge [sflag:s16], $0x50  }
0x31: {  	[sflag:s16] =	ssyncset.done $0x0  }
0x32: {  	[sflag:s16] =	ssyncadd.s32 $0xFFFFFFB0  }
0x33: {  	_ =	swait.ge [sflag:s16], $0x50  }
0x34: {  	s21 =	simm.s32 $0xC80;
	s20 =	simm.s32 $0x640;
	[sflag:s16] =	ssyncset.done $0x0  }
.LBB2_2:
0x35: {  	s22 =	sshra.s32 s20, $0x2  }
0x36: {  	[sflag:s16] =	ssyncadd.s32 $0xFFFFFFB0;
	s20 =	smov.u32 s21;
	s23 =	sadd.s32 $0x640, s21  }
0x37: {  	[spmem:s3] =	stream.indirect.scatter.add.f32 [tilespmem:s12], [sflag:$0x1], $0x1, s22, s15, $0xb8;
	[tilespmem:$0x2A80] =	vst v63  }
0x38: {  	p0 =	sne.s32 s21, $0x9600;
	s21 =	sadd.s32 $0x50, s22  }
0x39: {  	[spmem:s3] =	stream.indirect.scatter.add.f32 [tilespmem:s12], [sflag:$0x1], $0x1, s21, s15, $0xb8;
	[tilespmem:$0x2A80] =	vst v63  }
0x3a: {  	s21 =	sadd.s32 $0xA0, s22  }
0x3b: {  	[spmem:s3] =	stream.indirect.scatter.add.f32 [tilespmem:s12], [sflag:$0x1], $0x1, s21, s15, $0xb8;
	[tilespmem:$0x2A80] =	vst v63  }
0x3c: {  	s21 =	sadd.s32 $0xF0, s22  }
0x3d: {  	[spmem:s3] =	stream.indirect.scatter.add.f32 [tilespmem:s12], [sflag:$0x1], $0x1, s21, s15, $0xb8;
	[tilespmem:$0x2A80] =	vst v63  }
0x3e: {  	s21 =	sadd.s32 $0x140, s22  }
0x3f: {  	[spmem:s3] =	stream.indirect.scatter.add.f32 [tilespmem:s12], [sflag:$0x1], $0x1, s21, s15, $0xb8;
	[tilespmem:$0x2A80] =	vst v63  }
0x40: {  	_ =	swait.ge [sflag:s16], $0x50  }
0x41: {  	[sflag:s16] =	ssyncset.done $0x0  }
0x42: {  	[sflag:s16] =	ssyncadd.s32 $0xFFFFFFB0  }
0x43: {  	_ =	swait.ge [sflag:s16], $0x50  }
0x44: {  	[sflag:s16] =	ssyncset.done $0x0  }
0x45: {  	[sflag:s16] =	ssyncadd.s32 $0xFFFFFFB0  }
0x46: {  	_ =	swait.ge [sflag:s16], $0x50  }
0x47: {  	[sflag:s16] =	ssyncset.done $0x0  }
0x48: {  	[sflag:s16] =	ssyncadd.s32 $0xFFFFFFB0  }
.Ltmp0:
0x49: {  	_ =	swait.ge [sflag:s16], $0x50;
	(pc) =	sbr.rel @p0 .LBB2_2-.Ltmp0, $4  }
0x4a: {  	[sflag:s16] =	ssyncset.done $0x0  }
0x4b: {  	[sflag:s16] =	ssyncadd.s32 $0xFFFFFFB0  }
0x4c: {  	_ =	swait.ge [sflag:s16], $0x50  }
0x4d: {  	s21 =	smov.u32 s23;
	[sflag:s16] =	ssyncset.done $0x0  }
0x4e: {  	s20 =	sshra.s32 s20, $0x2;
	[sflag:s16] =	ssyncadd.s32 $0xFFFFFFB0  }
0x4f: {  	[spmem:s3] =	stream.indirect.scatter.add.f32 [tilespmem:s12], [sflag:$0x1], $0x1, s20, s15, $0xb8;
	[tilespmem:$0x2A80] =	vst v63  }
0x50: {  	s21 =	sadd.s32 $0x50, s20  }
0x51: {  	[spmem:s3] =	stream.indirect.scatter.add.f32 [tilespmem:s12], [sflag:$0x1], $0x1, s21, s15, $0xb8;
	[tilespmem:$0x2A80] =	vst v63  }
0x52: {  	s30 =	sadd.s32 $0xA0, s20  }
0x53: {  	[spmem:s3] =	stream.indirect.scatter.add.f32 [tilespmem:s12], [sflag:$0x1], $0x1, s30, s15, $0xb8;
	[tilespmem:$0x2A80] =	vst v63  }
0x54: {  	s31 =	sadd.s32 $0xF0, s20  }
0x55: {  	[spmem:s3] =	stream.indirect.scatter.add.f32 [tilespmem:s12], [sflag:$0x1], $0x1, s31, s15, $0xb8;
	[tilespmem:$0x2A80] =	vst v63  }
0x56: {  	s20 =	sadd.s32 $0x140, s20  }
0x57: {  	[spmem:s3] =	stream.indirect.scatter.add.f32 [tilespmem:s12], [sflag:$0x1], $0x1, s20, s15, $0xb8;
	[tilespmem:$0x2A80] =	vst v63  }
0x58: {  	_ =	swait.ge [sflag:s16], $0x50  }
0x59: {  	[sflag:s16] =	ssyncset.done $0x0  }
0x5a: {  	[sflag:s16] =	ssyncadd.s32 $0xFFFFFFB0  }
0x5b: {  	_ =	swait.ge [sflag:s16], $0x50  }
0x5c: {  	[sflag:s16] =	ssyncset.done $0x0  }
0x5d: {  	[sflag:s16] =	ssyncadd.s32 $0xFFFFFFB0  }
0x5e: {  	_ =	swait.ge [sflag:s16], $0x50  }
0x5f: {  	[sflag:s16] =	ssyncset.done $0x0  }
0x60: {  	[sflag:s16] =	ssyncadd.s32 $0xFFFFFFB0  }
0x61: {  	_ =	swait.ge [sflag:s16], $0x50  }
0x62: {  	[sflag:s16] =	ssyncset.done $0x0  }
0x63: {  	[sflag:s16] =	ssyncadd.s32 $0xFFFFFFB0  }
0x64: {  	_ =	swait.ge [sflag:s16], $0x50  }
0x65: {  	s19 =	sadd.s32 $0x1, s19;
	[sflag:s16] =	ssyncset.done $0x0  }
0x66: {  	p0 =	sne.s32 s19, s8;
	[sflag:s16] =	ssyncadd.s32 $0xFFFFFFB0  }
.Ltmp1:
0x67: {  	[bflag:$0x0] =	sbarrier.arrive $0xFFFF;
	(pc) =	sbr.rel @p0 .LBB2_1-.Ltmp1, $4  }
0x68: {  	[hbm:s7@s17], [sflag:s13] =	dma.strided [spmem:s14@s18], $0x50, s16, $0x10   }
0x69: {  	_ =	swait.ge [sflag:s11], $0x50  }
0x6a: {  	[sflag:s11] =	ssyncset.done $0x0  }
0x6b: {  	[sflag:s11] =	ssyncadd.s32 $0xFFFFFFB0  }
0x6c: {  	_ =	sfence.sel $0x180000  }
0x6d: {  	[bflag:$0x0] =	sbarrier.arrive $0xFFFF  }
0x6e: {  	p0 =	sne.s32 s0, $0x0;
	_ =	strace $0x90000047  }
0x6f: {  	s0 =	sadd.s32 @!p0 $0x100000, s2;
	[bflag:$0x2] =	sbarrier.arrive $0xFFFF  }
0x70: {  	[sflag:s0] =	ssyncadd.tile.s32 @!p0 $0x1;
	_ =	shalt  }
.Lfunc_end2:
_tile_overlayer_lowered:
.L_overlay_start_2:
0x71: {  	(tag) =	ssettag $0x2  }
0x72: {  	s0 =	rddreg [dreg:$0x0];
	s2 =	stileid.u32  }
0x73: {  	s1 =	rddreg [dreg:$0x1];
	p0 =	sne.s32 s2, $0x0  }
0x74: {  	s3 =	rddreg [dreg:$0x2];
	[bflag:$0x3] =	sbarrier.arrive $0xFFFF;
	s2 =	simm.s32 @!p0 $0x1C02  }
0x75: {  	[timem:s3], [sflag:s2] =	dma.local @!p0 [hbm:s0], s1  }
0x76: {  	s0 =	simm.s32 @!p0 $0x2  }
0x77: {  	_ =	swait.ge @!p0 [sflag:s0], s1  }
0x78: {  	s1 =	ssub.s32 @!p0 $0x0, s1;
	[sflag:s0] =	ssyncset.done @!p0 $0x0  }
0x79: {  	[sflag:s0] =	ssyncadd.s32 @!p0 s1  }
0x7a: {  	[bflag:$0x3] =	sbarrier.arrive $0xFFFF  }
0x7b: {  	_ =	shalt  }

</sc_bundles>
